<compile_context>
chip_gen: v7x
topology: tpu7x:2x2x1
jax: 0.10.2.dev20260603
libtpu: 0.0.44.dev20260713+nightly
codegen_flags: <defaults>
</compile_context>

<pallas_src>
import functools

import jax
import jax.numpy as jnp
from jax import lax
from jax.experimental import pallas as pl
from jax.experimental.pallas import tpu as pltpu
from jax.experimental.pallas import tpu_sc as plsc

_VOCAB = 32320
_DIM = 1024
_B = 4
_L = 2048
_N = _B * _L
_NC, _NS, _LANES = 2, 16, 16
_NW = _NC * _NS
_RPW = _N // _NW
_C = 32
_NCHUNK = _RPW // _C
_NBUF = 3
_LEAD = 2

_mesh = plsc.VectorSubcoreMesh(
    core_axis_name="c", subcore_axis_name="s",
    num_cores=_NC, num_subcores=_NS)


def _fix_padding_rows(idx_v, rows_v, off):

    def row_body(r, _):
        splat = plsc.load_gather(
            idx_v, [jnp.broadcast_to(off + r, (_LANES,)).astype(jnp.int32)])
        scale = jnp.where(splat == 0, 0.0, 1.0)

        def col_body(cc, _):
            seg = rows_v[r, pl.ds(cc * _LANES, _LANES)]
            rows_v[r, pl.ds(cc * _LANES, _LANES)] = seg * scale
            return 0

        lax.fori_loop(0, _DIM // _LANES, col_body, 0)
        return 0

    lax.fori_loop(0, _C, row_body, 0)


@functools.partial(
    pl.kernel,
    out_type=jax.ShapeDtypeStruct((_N, _DIM), jnp.float32),
    mesh=_mesh,
    scratch_types=(
        [pltpu.VMEM((_RPW,), jnp.int32)]
        + [pltpu.VMEM((_C, _DIM), jnp.float32)] * _NBUF
        + [pltpu.SemaphoreType.DMA] * (2 * _NBUF)
    ),
    compiler_params=pltpu.CompilerParams(needs_layout_passes=False),
)
def _embed(idx_hbm, table_hbm, out_hbm, idx_v, *rest):
    bufs = rest[:_NBUF]
    gsems = rest[_NBUF:2 * _NBUF]
    wsems = rest[2 * _NBUF:3 * _NBUF]

    wid = lax.axis_index("s") * _NC + lax.axis_index("c")
    base = wid * _RPW
    wpb = _L // _RPW
    pltpu.sync_copy(
        idx_hbm.at[wid // wpb, pl.ds((wid % wpb) * _RPW, _RPW)], idx_v)

    def gather_copy(t):
        b = t % _NBUF
        return pltpu.make_async_copy(
            table_hbm.at[idx_v.at[pl.ds(t * _C, _C)]], bufs[b], gsems[b])

    def write_copy(t):
        b = t % _NBUF
        return pltpu.make_async_copy(
            bufs[b], out_hbm.at[pl.ds(base + t * _C, _C)], wsems[b])

    z = idx_v[pl.ds(0, _LANES)]
    for g in range(1, _RPW // _LANES):
        z = jnp.minimum(z, idx_v[pl.ds(g * _LANES, _LANES)])
    zs, _ = plsc.sort_key_val(z, z)
    haszero = zs[0] == 0

    for t in range(_NCHUNK + _LEAD):
        if t < _NCHUNK:
            if t >= _NBUF:
                write_copy(t - _NBUF).wait()
            gather_copy(t).start()
        tt = t - _LEAD
        if tt >= 0:
            gather_copy(tt).wait()

            @pl.when(haszero)
            def _():
                _fix_padding_rows(idx_v, bufs[tt % _NBUF], tt * _C)

            write_copy(tt).start()

    for t in range(_NCHUNK - _NBUF, _NCHUNK):
        write_copy(t).wait()


def kernel(inp, src_length, tgt_input, table):
    out = _embed(tgt_input, table)
    return (inp, src_length, out.reshape(_B, _L, _DIM))

# --- scband reference (transcript-rebuilt; emitter-appended) ---
"""Pipeline reference for scband-embed2-42322607735545 (READ-ONLY COPY).

The authoritative reference and input builder live on the scoring server;
editing this copy changes nothing except your own understanding.
"""

import jax, jax.numpy as jnp
import numpy as np

VOCAB = 32320
DIM = 1024
B = 4
L = 2048

def setup_inputs(seed: int = 0) -> dict:
    key = jax.random.key(seed)
    k1, k2, k3, k4 = jax.random.split(key, 4)
    inp = jax.random.randint(k1, (B, L), 0, VOCAB, dtype=jnp.int64) if jax.config.read('jax_enable_x64') else jax.random.randint(k1, (B, L), 0, VOCAB).astype(jnp.int32)
    src_length = jax.random.randint(k2, (B,), 1, L, dtype=jnp.int32)
    tgt_input = jax.random.randint(k3, (B, L), 0, VOCAB).astype(jnp.int32)
    table = jax.random.uniform(k4, (VOCAB, DIM), dtype=jnp.float32, minval=-0.1, maxval=0.1)
    return {"inp": inp, "src_length": src_length, "tgt_input": tgt_input, "table": table}

def reference(inp, src_length, tgt_input, table):
    # nn.Embedding(32320, 1024, padding_idx=0): row 0 acts as zero vector
    emb_table = table.at[0].set(0.0)
    tgt_out = jnp.take(emb_table, tgt_input, axis=0)
    return (inp, src_length, tgt_out)

if __name__ == "__main__":
    import jax
    _d = setup_inputs()
    print(jax.jit(kernel)(*tuple(_d.values())))

</pallas_src>

<mosaic_0001>
#map = affine_map<(d0, d1) -> (0, 0)>
module attributes {stable_mosaic.version = 14 : i64} {
  func.func @_embed(%arg0: i32, %arg1: i32, %arg2: memref<4x2048xi32, #tpu.memory_space<hbm>>, %arg3: memref<32320x1024xf32, #tpu.memory_space<hbm>>, %arg4: memref<8192x1024xf32, #tpu.memory_space<hbm>>, %arg5: memref<256xi32, #tpu.memory_space<vmem>>, %arg6: memref<32x1024xf32, #tpu.memory_space<vmem>>, %arg7: memref<32x1024xf32, #tpu.memory_space<vmem>>, %arg8: memref<32x1024xf32, #tpu.memory_space<vmem>>, %arg9: memref<!tpu.dma_semaphore, #tpu.memory_space<semaphore_mem>>, %arg10: memref<!tpu.dma_semaphore, #tpu.memory_space<semaphore_mem>>, %arg11: memref<!tpu.dma_semaphore, #tpu.memory_space<semaphore_mem>>, %arg12: memref<!tpu.dma_semaphore, #tpu.memory_space<semaphore_mem>>, %arg13: memref<!tpu.dma_semaphore, #tpu.memory_space<semaphore_mem>>, %arg14: memref<!tpu.dma_semaphore, #tpu.memory_space<semaphore_mem>>) attributes {dimension_semantics = [#tpu.dimension_semantics<core_parallel>, #tpu.dimension_semantics<subcore_parallel>], iteration_bounds = array<i64: 2, 16>, scalar_prefetch = 0 : i64, scratch_operands = 10 : i64, tpu.core_type = #tpu.core_type<sc_vector_subcore>, window_params = [{transform_indices = #map}, {transform_indices = #map}, {transform_indices = #map}]} {
    %mul3A = arith.constant 2 : i32
    %mul3A_0 = arith.muli %arg1, %mul3A : i32
    %add3A = arith.addi %mul3A_0, %arg0 : i32
    %mul3A_1 = arith.constant 256 : i32
    %mul3A_2 = arith.muli %add3A, %mul3A_1 : i32
    %jit3A = arith.constant 8 : i32
    %div3A = arith.divsi %add3A, %jit3A : i32
    %sign3A = arith.constant 0 : i32
    %sign3A_3 = arith.cmpi sgt, %add3A, %sign3A : i32
    %sign3A_4 = arith.extui %sign3A_3 : i1 to i32
    %sign3A_5 = arith.constant 0 : i32
    %sign3A_6 = arith.cmpi slt, %add3A, %sign3A_5 : i32
    %sign3A_7 = arith.extui %sign3A_6 : i1 to i32
    %sign3A_8 = arith.subi %sign3A_4, %sign3A_7 : i32
    %sign3A_9 = arith.constant 0 : i32
    %sign3A_10 = arith.cmpi sgt, %jit3A, %sign3A_9 : i32
    %sign3A_11 = arith.extui %sign3A_10 : i1 to i32
    %sign3A_12 = arith.constant 0 : i32
    %sign3A_13 = arith.cmpi slt, %jit3A, %sign3A_12 : i32
    %sign3A_14 = arith.extui %sign3A_13 : i1 to i32
    %sign3A_15 = arith.subi %sign3A_11, %sign3A_14 : i32
    %ne3A = arith.cmpi ne, %sign3A_8, %sign3A_15 : i32
    %rem3A = arith.remsi %add3A, %jit3A : i32
    %ne3A_16 = arith.constant 0 : i32
    %ne3A_17 = arith.cmpi ne, %rem3A, %ne3A_16 : i32
    %and3A = arith.andi %ne3A, %ne3A_17 : i1
    %sub3A = arith.constant 1 : i32
    %sub3A_18 = arith.subi %div3A, %sub3A : i32
    %select_n3A = arith.select %and3A, %sub3A_18, %div3A : i32
    %jit3A_19 = arith.constant 8 : i32
    %eq3A = arith.constant 0 : i32
    %eq3A_20 = arith.cmpi eq, %jit3A_19, %eq3A : i32
    %jit3A_21 = arith.constant 1 : i32
    %select_n3A_22 = arith.select %eq3A_20, %jit3A_21, %jit3A_19 : i32
    %rem3A_23 = arith.remsi %add3A, %select_n3A_22 : i32
    %ne3A_24 = arith.constant 0 : i32
    %ne3A_25 = arith.cmpi ne, %rem3A_23, %ne3A_24 : i32
    %lt3A = arith.constant 0 : i32
    %lt3A_26 = arith.cmpi slt, %rem3A_23, %lt3A : i32
    %lt3A_27 = arith.constant 0 : i32
    %lt3A_28 = arith.cmpi slt, %select_n3A_22, %lt3A_27 : i32
    %ne3A_29 = arith.xori %lt3A_26, %lt3A_28 : i1
    %and3A_30 = arith.andi %ne3A_29, %ne3A_25 : i1
    %add3A_31 = arith.addi %rem3A_23, %select_n3A_22 : i32
    %select_n3A_32 = arith.select %and3A_30, %add3A_31, %rem3A_23 : i32
    %mul3A_33 = arith.constant 256 : i32
    %mul3A_34 = arith.muli %select_n3A_32, %mul3A_33 : i32
    "tpu.region"() ({
      %run_scoped3A = tpu.sem_alloc : memref<!tpu.dma_semaphore, #tpu.memory_space<semaphore_mem>>
      %dma_start3A_285 = tpu.memref_slice %arg2[%select_n3A, %mul3A_34] : memref<4x2048xi32, #tpu.memory_space<hbm>> -> memref<1x256xi32, #tpu.memory_space<hbm>>
      %dma_start3A_286 = tpu.memref_squeeze %dma_start3A_285 : memref<1x256xi32, #tpu.memory_space<hbm>> -> memref<256xi32, #tpu.memory_space<hbm>>
      %dma_start3A_287 = tpu.memref_slice %arg2[%select_n3A, %mul3A_34] : memref<4x2048xi32, #tpu.memory_space<hbm>> -> memref<1x256xi32, #tpu.memory_space<hbm>>
      %dma_start3A_288 = tpu.memref_squeeze %dma_start3A_287 : memref<1x256xi32, #tpu.memory_space<hbm>> -> memref<256xi32, #tpu.memory_space<hbm>>
      tpu.enqueue_dma source(%dma_start3A_288 : memref<256xi32, #tpu.memory_space<hbm>>) target(%arg5 : memref<256xi32, #tpu.memory_space<vmem>>) target_semaphore(%run_scoped3A : memref<!tpu.dma_semaphore, #tpu.memory_space<semaphore_mem>>)
      %dma_wait3A_289 = tpu.memref_slice %arg2[%select_n3A, %mul3A_34] : memref<4x2048xi32, #tpu.memory_space<hbm>> -> memref<1x256xi32, #tpu.memory_space<hbm>>
      %dma_wait3A_290 = tpu.memref_squeeze %dma_wait3A_289 : memref<1x256xi32, #tpu.memory_space<hbm>> -> memref<256xi32, #tpu.memory_space<hbm>>
      %dma_wait3A_291 = tpu.memref_slice %arg2[%select_n3A, %mul3A_34] : memref<4x2048xi32, #tpu.memory_space<hbm>> -> memref<1x256xi32, #tpu.memory_space<hbm>>
      %dma_wait3A_292 = tpu.memref_squeeze %dma_wait3A_291 : memref<1x256xi32, #tpu.memory_space<hbm>> -> memref<256xi32, #tpu.memory_space<hbm>>
      tpu.wait_dma2 semaphore(%run_scoped3A : memref<!tpu.dma_semaphore, #tpu.memory_space<semaphore_mem>>) src(%dma_wait3A_292 : memref<256xi32, #tpu.memory_space<hbm>>) dst(%arg5 : memref<256xi32, #tpu.memory_space<vmem>>)
      tpu.yield
    }) : () -> ()
    %get3A = arith.constant 0 : index
    %get3A_35 = tpu.vector_load %arg5[%get3A] {strides = array<i32>} : memref<256xi32, #tpu.memory_space<vmem>>, vector<16xi32>,
    %get3A_36 = arith.constant 16 : index
    %get3A_37 = tpu.vector_load %arg5[%get3A_36] {strides = array<i32>} : memref<256xi32, #tpu.memory_space<vmem>>, vector<16xi32>,
    %min3A = arith.minsi %get3A_35, %get3A_37 : vector<16xi32>
    %get3A_38 = arith.constant 32 : index
    %get3A_39 = tpu.vector_load %arg5[%get3A_38] {strides = array<i32>} : memref<256xi32, #tpu.memory_space<vmem>>, vector<16xi32>,
    %min3A_40 = arith.minsi %min3A, %get3A_39 : vector<16xi32>
    %get3A_41 = arith.constant 48 : index
    %get3A_42 = tpu.vector_load %arg5[%get3A_41] {strides = array<i32>} : memref<256xi32, #tpu.memory_space<vmem>>, vector<16xi32>,
    %min3A_43 = arith.minsi %min3A_40, %get3A_42 : vector<16xi32>
    %get3A_44 = arith.constant 64 : index
    %get3A_45 = tpu.vector_load %arg5[%get3A_44] {strides = array<i32>} : memref<256xi32, #tpu.memory_space<vmem>>, vector<16xi32>,
    %min3A_46 = arith.minsi %min3A_43, %get3A_45 : vector<16xi32>
    %get3A_47 = arith.constant 80 : index
    %get3A_48 = tpu.vector_load %arg5[%get3A_47] {strides = array<i32>} : memref<256xi32, #tpu.memory_space<vmem>>, vector<16xi32>,
    %min3A_49 = arith.minsi %min3A_46, %get3A_48 : vector<16xi32>
    %get3A_50 = arith.constant 96 : index
    %get3A_51 = tpu.vector_load %arg5[%get3A_50] {strides = array<i32>} : memref<256xi32, #tpu.memory_space<vmem>>, vector<16xi32>,
    %min3A_52 = arith.minsi %min3A_49, %get3A_51 : vector<16xi32>
    %get3A_53 = arith.constant 112 : index
    %get3A_54 = tpu.vector_load %arg5[%get3A_53] {strides = array<i32>} : memref<256xi32, #tpu.memory_space<vmem>>, vector<16xi32>,
    %min3A_55 = arith.minsi %min3A_52, %get3A_54 : vector<16xi32>
    %get3A_56 = arith.constant 128 : index
    %get3A_57 = tpu.vector_load %arg5[%get3A_56] {strides = array<i32>} : memref<256xi32, #tpu.memory_space<vmem>>, vector<16xi32>,
    %min3A_58 = arith.minsi %min3A_55, %get3A_57 : vector<16xi32>
    %get3A_59 = arith.constant 144 : index
    %get3A_60 = tpu.vector_load %arg5[%get3A_59] {strides = array<i32>} : memref<256xi32, #tpu.memory_space<vmem>>, vector<16xi32>,
    %min3A_61 = arith.minsi %min3A_58, %get3A_60 : vector<16xi32>
    %get3A_62 = arith.constant 160 : index
    %get3A_63 = tpu.vector_load %arg5[%get3A_62] {strides = array<i32>} : memref<256xi32, #tpu.memory_space<vmem>>, vector<16xi32>,
    %min3A_64 = arith.minsi %min3A_61, %get3A_63 : vector<16xi32>
    %get3A_65 = arith.constant 176 : index
    %get3A_66 = tpu.vector_load %arg5[%get3A_65] {strides = array<i32>} : memref<256xi32, #tpu.memory_space<vmem>>, vector<16xi32>,
    %min3A_67 = arith.minsi %min3A_64, %get3A_66 : vector<16xi32>
    %get3A_68 = arith.constant 192 : index
    %get3A_69 = tpu.vector_load %arg5[%get3A_68] {strides = array<i32>} : memref<256xi32, #tpu.memory_space<vmem>>, vector<16xi32>,
    %min3A_70 = arith.minsi %min3A_67, %get3A_69 : vector<16xi32>
    %get3A_71 = arith.constant 208 : index
    %get3A_72 = tpu.vector_load %arg5[%get3A_71] {strides = array<i32>} : memref<256xi32, #tpu.memory_space<vmem>>, vector<16xi32>,
    %min3A_73 = arith.minsi %min3A_70, %get3A_72 : vector<16xi32>
    %get3A_74 = arith.constant 224 : index
    %get3A_75 = tpu.vector_load %arg5[%get3A_74] {strides = array<i32>} : memref<256xi32, #tpu.memory_space<vmem>>, vector<16xi32>,
    %min3A_76 = arith.minsi %min3A_73, %get3A_75 : vector<16xi32>
    %get3A_77 = arith.constant 240 : index
    %get3A_78 = tpu.vector_load %arg5[%get3A_77] {strides = array<i32>} : memref<256xi32, #tpu.memory_space<vmem>>, vector<16xi32>,
    %min3A_79 = arith.minsi %min3A_76, %get3A_78 : vector<16xi32>
    %masked_sort3A = arith.constant dense<true> : vector<16xi1>
    %masked_sort3A_80 = arith.constant -2147483648 : i32
    %masked_sort3A_81 = vector.broadcast %masked_sort3A_80 : i32 to vector<16xi32>
    %masked_sort3A_82 = arith.xori %min3A_79, %masked_sort3A_81 : vector<16xi32>
    %masked_sort3A_83, %masked_sort3A_84, %masked_sort3A_85 = tpu.sort %masked_sort3A_82, %min3A_79 masked %masked_sort3A : (vector<16xi32>, vector<16xi32>, vector<16xi1>) -> (vector<16xi1>, vector<16xi32>, vector<16xi32>)
    %masked_sort3A_86 = arith.xori %masked_sort3A_84, %masked_sort3A_81 : vector<16xi32>
    %slice3A = vector.extract_strided_slice %masked_sort3A_86 {offsets = [0], sizes = [1], strides = [1]} : vector<16xi32> to vector<1xi32>
    %squeeze3A = vector.extract %slice3A[0] : i32 from vector<1xi32>
    %eq3A_87 = arith.constant 0 : i32
    %eq3A_88 = arith.cmpi eq, %squeeze3A, %eq3A_87 : i32
    %dma_start3A = arith.constant 0 : i32
    %dma_start3A_89 = tpu.memref_slice %arg5[%dma_start3A] : memref<256xi32, #tpu.memory_space<vmem>> -> memref<32xi32, #tpu.memory_space<vmem>>
    %dma_start3A_90 = arith.constant 0 : i32
    %dma_start3A_91 = arith.constant 0 : i32
    %dma_start3A_92 = tpu.memref_slice %arg3[%dma_start3A_90, %dma_start3A_91] : memref<32320x1024xf32, #tpu.memory_space<hbm>> -> memref<32320x1024xf32, #tpu.memory_space<hbm>>
    tpu.enqueue_indirect_dma source(%dma_start3A_92 : memref<32320x1024xf32, #tpu.memory_space<hbm>>) target(%arg6 : memref<32x1024xf32, #tpu.memory_space<vmem>>) offsets(%dma_start3A_89 : memref<32xi32, #tpu.memory_space<vmem>>) semaphore(%arg9 : memref<!tpu.dma_semaphore, #tpu.memory_space<semaphore_mem>>)
    %dma_start3A_93 = arith.constant 32 : i32
    %dma_start3A_94 = tpu.memref_slice %arg5[%dma_start3A_93] : memref<256xi32, #tpu.memory_space<vmem>> -> memref<32xi32, #tpu.memory_space<vmem>>
    %dma_start3A_95 = arith.constant 0 : i32
    %dma_start3A_96 = arith.constant 0 : i32
    %dma_start3A_97 = tpu.memref_slice %arg3[%dma_start3A_95, %dma_start3A_96] : memref<32320x1024xf32, #tpu.memory_space<hbm>> -> memref<32320x1024xf32, #tpu.memory_space<hbm>>
    tpu.enqueue_indirect_dma source(%dma_start3A_97 : memref<32320x1024xf32, #tpu.memory_space<hbm>>) target(%arg7 : memref<32x1024xf32, #tpu.memory_space<vmem>>) offsets(%dma_start3A_94 : memref<32xi32, #tpu.memory_space<vmem>>) semaphore(%arg10 : memref<!tpu.dma_semaphore, #tpu.memory_space<semaphore_mem>>)
    %dma_start3A_98 = arith.constant 64 : i32
    %dma_start3A_99 = tpu.memref_slice %arg5[%dma_start3A_98] : memref<256xi32, #tpu.memory_space<vmem>> -> memref<32xi32, #tpu.memory_space<vmem>>
    %dma_start3A_100 = arith.constant 0 : i32
    %dma_start3A_101 = arith.constant 0 : i32
    %dma_start3A_102 = tpu.memref_slice %arg3[%dma_start3A_100, %dma_start3A_101] : memref<32320x1024xf32, #tpu.memory_space<hbm>> -> memref<32320x1024xf32, #tpu.memory_space<hbm>>
    tpu.enqueue_indirect_dma source(%dma_start3A_102 : memref<32320x1024xf32, #tpu.memory_space<hbm>>) target(%arg8 : memref<32x1024xf32, #tpu.memory_space<vmem>>) offsets(%dma_start3A_99 : memref<32xi32, #tpu.memory_space<vmem>>) semaphore(%arg11 : memref<!tpu.dma_semaphore, #tpu.memory_space<semaphore_mem>>)
    %dma_wait3A = arith.constant 0 : i32
    %dma_wait3A_103 = tpu.memref_slice %arg5[%dma_wait3A] : memref<256xi32, #tpu.memory_space<vmem>> -> memref<32xi32, #tpu.memory_space<vmem>>
    %dma_wait3A_104 = arith.constant 0 : i32
    %dma_wait3A_105 = arith.constant 0 : i32
    %dma_wait3A_106 = tpu.memref_slice %arg3[%dma_wait3A_104, %dma_wait3A_105] : memref<32320x1024xf32, #tpu.memory_space<hbm>> -> memref<32320x1024xf32, #tpu.memory_space<hbm>>
    tpu.wait_indirect_dma semaphore(%arg9 : memref<!tpu.dma_semaphore, #tpu.memory_space<semaphore_mem>>) src(%dma_wait3A_106 : memref<32320x1024xf32, #tpu.memory_space<hbm>>) dst(%arg6 : memref<32x1024xf32, #tpu.memory_space<vmem>>)
    %convert_element_type3A = arith.extui %eq3A_88 : i1 to i32
    %cond3A = arith.constant 0 : i32
    %cond3A_107 = arith.cmpi ne, %convert_element_type3A, %cond3A : i32
    scf.if %cond3A_107 {
      %scan3A = arith.constant 0 : i32
      %scan3A_285 = arith.constant 0 : i32
      %scan3A_286 = arith.constant 32 : i32
      %scan3A_287 = arith.addi %scan3A_285, %scan3A_286 : i32
      %scan3A_288 = arith.constant 1 : i32
      %scan3A_289 = scf.for %scan3A_291 = %scan3A_285 to %scan3A_287 step %scan3A_288 iter_args(%scan3A_292 = %scan3A) -> (i32)  : i32 {
        %add3A_293 = arith.constant 0 : i32
        %add3A_294 = arith.addi %add3A_293, %scan3A_291 : i32
        %broadcast_in_dim3A = vector.broadcast %add3A_294 : i32 to vector<16xi32>
        %gather3A = tpu.vector_load_idx %arg5[%broadcast_in_dim3A] : memref<256xi32, #tpu.memory_space<vmem>>[vector<16xi32>], vector<16xi32>,
        %eq3A_295 = arith.constant 0 : i32
        %eq3A_296 = vector.broadcast %eq3A_295 : i32 to vector<16xi32>
        %eq3A_297 = arith.cmpi eq, %gather3A, %eq3A_296 : vector<16xi32>
        %jit3A_298 = arith.constant 0.000000e+00 : f32
        %jit3A_299 = arith.constant 1.000000e+00 : f32
        %broadcast_in_dim3A_300 = vector.broadcast %jit3A_298 : f32 to vector<16xf32>
        %broadcast_in_dim3A_301 = vector.broadcast %jit3A_299 : f32 to vector<16xf32>
        %select_n3A_302 = arith.select %eq3A_297, %broadcast_in_dim3A_300, %broadcast_in_dim3A_301 : vector<16xi1>, vector<16xf32>
        %scan3A_303 = arith.constant 0 : i32
        %scan3A_304 = arith.constant 0 : i32
        %scan3A_305 = arith.constant 64 : i32
        %scan3A_306 = arith.addi %scan3A_304, %scan3A_305 : i32
        %scan3A_307 = arith.constant 1 : i32
        %scan3A_308 = scf.for %scan3A_311 = %scan3A_304 to %scan3A_306 step %scan3A_307 iter_args(%scan3A_312 = %scan3A_303) -> (i32)  : i32 {
          %mul3A_313 = arith.constant 16 : i32
          %mul3A_314 = arith.muli %scan3A_311, %mul3A_313 : i32
          %get3A_315 = arith.index_cast %scan3A_291 : i32 to index
          %get3A_316 = arith.index_cast %mul3A_314 : i32 to index
          %get3A_317 = tpu.vector_load %arg6[%get3A_315, %get3A_316] {strides = array<i32>} : memref<32x1024xf32, #tpu.memory_space<vmem>>, vector<16xf32>,
          %mul3A_318 = arith.mulf %get3A_317, %select_n3A_302 : vector<16xf32>
          %mul3A_319 = arith.constant 16 : i32
          %mul3A_320 = arith.muli %scan3A_311, %mul3A_319 : i32
          %swap3A = arith.index_cast %scan3A_291 : i32 to index
          %swap3A_321 = arith.index_cast %mul3A_320 : i32 to index
          %swap3A_322 = tpu.vector_load %arg6[%swap3A, %swap3A_321] {strides = array<i32>} : memref<32x1024xf32, #tpu.memory_space<vmem>>, vector<16xf32>,
          tpu.vector_store %arg6[%swap3A, %swap3A_321], %mul3A_318 {strides = array<i32>} : memref<32x1024xf32, #tpu.memory_space<vmem>>, vector<16xf32>,
          %scan3A_323 = arith.constant 0 : i32
          scf.yield %scan3A_323 : i32
        }
        %scan3A_309 = arith.constant 64 : i32
        %scan3A_310 = arith.constant 0 : i32
        scf.yield %scan3A_310 : i32
      }
      %scan3A_290 = arith.constant 32 : i32
    } else {
    }
    %add3A_108 = arith.constant 0 : i32
    %add3A_109 = arith.addi %mul3A_2, %add3A_108 : i32
    %dma_start3A_110 = arith.constant 0 : i32
    %dma_start3A_111 = tpu.memref_slice %arg4[%add3A_109, %dma_start3A_110] : memref<8192x1024xf32, #tpu.memory_space<hbm>> -> memref<32x1024xf32, #tpu.memory_space<hbm>>
    %dma_start3A_112 = arith.constant 0 : i32
    %dma_start3A_113 = tpu.memref_slice %arg4[%add3A_109, %dma_start3A_112] : memref<8192x1024xf32, #tpu.memory_space<hbm>> -> memref<32x1024xf32, #tpu.memory_space<hbm>>
    tpu.enqueue_dma source(%arg6 : memref<32x1024xf32, #tpu.memory_space<vmem>>) target(%dma_start3A_113 : memref<32x1024xf32, #tpu.memory_space<hbm>>) target_semaphore(%arg12 : memref<!tpu.dma_semaphore, #tpu.memory_space<semaphore_mem>>)
    %add3A_114 = arith.constant 0 : i32
    %add3A_115 = arith.addi %mul3A_2, %add3A_114 : i32
    %dma_wait3A_116 = arith.constant 0 : i32
    %dma_wait3A_117 = tpu.memref_slice %arg4[%add3A_115, %dma_wait3A_116] : memref<8192x1024xf32, #tpu.memory_space<hbm>> -> memref<32x1024xf32, #tpu.memory_space<hbm>>
    %dma_wait3A_118 = arith.constant 0 : i32
    %dma_wait3A_119 = tpu.memref_slice %arg4[%add3A_115, %dma_wait3A_118] : memref<8192x1024xf32, #tpu.memory_space<hbm>> -> memref<32x1024xf32, #tpu.memory_space<hbm>>
    tpu.wait_dma2 semaphore(%arg12 : memref<!tpu.dma_semaphore, #tpu.memory_space<semaphore_mem>>) src(%arg6 : memref<32x1024xf32, #tpu.memory_space<vmem>>) dst(%dma_wait3A_119 : memref<32x1024xf32, #tpu.memory_space<hbm>>)
    %dma_start3A_120 = arith.constant 96 : i32
    %dma_start3A_121 = tpu.memref_slice %arg5[%dma_start3A_120] : memref<256xi32, #tpu.memory_space<vmem>> -> memref<32xi32, #tpu.memory_space<vmem>>
    %dma_start3A_122 = arith.constant 0 : i32
    %dma_start3A_123 = arith.constant 0 : i32
    %dma_start3A_124 = tpu.memref_slice %arg3[%dma_start3A_122, %dma_start3A_123] : memref<32320x1024xf32, #tpu.memory_space<hbm>> -> memref<32320x1024xf32, #tpu.memory_space<hbm>>
    tpu.enqueue_indirect_dma source(%dma_start3A_124 : memref<32320x1024xf32, #tpu.memory_space<hbm>>) target(%arg6 : memref<32x1024xf32, #tpu.memory_space<vmem>>) offsets(%dma_start3A_121 : memref<32xi32, #tpu.memory_space<vmem>>) semaphore(%arg9 : memref<!tpu.dma_semaphore, #tpu.memory_space<semaphore_mem>>)
    %dma_wait3A_125 = arith.constant 32 : i32
    %dma_wait3A_126 = tpu.memref_slice %arg5[%dma_wait3A_125] : memref<256xi32, #tpu.memory_space<vmem>> -> memref<32xi32, #tpu.memory_space<vmem>>
    %dma_wait3A_127 = arith.constant 0 : i32
    %dma_wait3A_128 = arith.constant 0 : i32
    %dma_wait3A_129 = tpu.memref_slice %arg3[%dma_wait3A_127, %dma_wait3A_128] : memref<32320x1024xf32, #tpu.memory_space<hbm>> -> memref<32320x1024xf32, #tpu.memory_space<hbm>>
    tpu.wait_indirect_dma semaphore(%arg10 : memref<!tpu.dma_semaphore, #tpu.memory_space<semaphore_mem>>) src(%dma_wait3A_129 : memref<32320x1024xf32, #tpu.memory_space<hbm>>) dst(%arg7 : memref<32x1024xf32, #tpu.memory_space<vmem>>)
    %convert_element_type3A_130 = arith.extui %eq3A_88 : i1 to i32
    %cond3A_131 = arith.constant 0 : i32
    %cond3A_132 = arith.cmpi ne, %convert_element_type3A_130, %cond3A_131 : i32
    scf.if %cond3A_132 {
      %scan3A = arith.constant 0 : i32
      %scan3A_285 = arith.constant 0 : i32
      %scan3A_286 = arith.constant 32 : i32
      %scan3A_287 = arith.addi %scan3A_285, %scan3A_286 : i32
      %scan3A_288 = arith.constant 1 : i32
      %scan3A_289 = scf.for %scan3A_291 = %scan3A_285 to %scan3A_287 step %scan3A_288 iter_args(%scan3A_292 = %scan3A) -> (i32)  : i32 {
        %add3A_293 = arith.constant 32 : i32
        %add3A_294 = arith.addi %add3A_293, %scan3A_291 : i32
        %broadcast_in_dim3A = vector.broadcast %add3A_294 : i32 to vector<16xi32>
        %gather3A = tpu.vector_load_idx %arg5[%broadcast_in_dim3A] : memref<256xi32, #tpu.memory_space<vmem>>[vector<16xi32>], vector<16xi32>,
        %eq3A_295 = arith.constant 0 : i32
        %eq3A_296 = vector.broadcast %eq3A_295 : i32 to vector<16xi32>
        %eq3A_297 = arith.cmpi eq, %gather3A, %eq3A_296 : vector<16xi32>
        %jit3A_298 = arith.constant 0.000000e+00 : f32
        %jit3A_299 = arith.constant 1.000000e+00 : f32
        %broadcast_in_dim3A_300 = vector.broadcast %jit3A_298 : f32 to vector<16xf32>
        %broadcast_in_dim3A_301 = vector.broadcast %jit3A_299 : f32 to vector<16xf32>
        %select_n3A_302 = arith.select %eq3A_297, %broadcast_in_dim3A_300, %broadcast_in_dim3A_301 : vector<16xi1>, vector<16xf32>
        %scan3A_303 = arith.constant 0 : i32
        %scan3A_304 = arith.constant 0 : i32
        %scan3A_305 = arith.constant 64 : i32
        %scan3A_306 = arith.addi %scan3A_304, %scan3A_305 : i32
        %scan3A_307 = arith.constant 1 : i32
        %scan3A_308 = scf.for %scan3A_311 = %scan3A_304 to %scan3A_306 step %scan3A_307 iter_args(%scan3A_312 = %scan3A_303) -> (i32)  : i32 {
          %mul3A_313 = arith.constant 16 : i32
          %mul3A_314 = arith.muli %scan3A_311, %mul3A_313 : i32
          %get3A_315 = arith.index_cast %scan3A_291 : i32 to index
          %get3A_316 = arith.index_cast %mul3A_314 : i32 to index
          %get3A_317 = tpu.vector_load %arg7[%get3A_315, %get3A_316] {strides = array<i32>} : memref<32x1024xf32, #tpu.memory_space<vmem>>, vector<16xf32>,
          %mul3A_318 = arith.mulf %get3A_317, %select_n3A_302 : vector<16xf32>
          %mul3A_319 = arith.constant 16 : i32
          %mul3A_320 = arith.muli %scan3A_311, %mul3A_319 : i32
          %swap3A = arith.index_cast %scan3A_291 : i32 to index
          %swap3A_321 = arith.index_cast %mul3A_320 : i32 to index
          %swap3A_322 = tpu.vector_load %arg7[%swap3A, %swap3A_321] {strides = array<i32>} : memref<32x1024xf32, #tpu.memory_space<vmem>>, vector<16xf32>,
          tpu.vector_store %arg7[%swap3A, %swap3A_321], %mul3A_318 {strides = array<i32>} : memref<32x1024xf32, #tpu.memory_space<vmem>>, vector<16xf32>,
          %scan3A_323 = arith.constant 0 : i32
          scf.yield %scan3A_323 : i32
        }
        %scan3A_309 = arith.constant 64 : i32
        %scan3A_310 = arith.constant 0 : i32
        scf.yield %scan3A_310 : i32
      }
      %scan3A_290 = arith.constant 32 : i32
    } else {
    }
    %add3A_133 = arith.constant 32 : i32
    %add3A_134 = arith.addi %mul3A_2, %add3A_133 : i32
    %dma_start3A_135 = arith.constant 0 : i32
    %dma_start3A_136 = tpu.memref_slice %arg4[%add3A_134, %dma_start3A_135] : memref<8192x1024xf32, #tpu.memory_space<hbm>> -> memref<32x1024xf32, #tpu.memory_space<hbm>>
    %dma_start3A_137 = arith.constant 0 : i32
    %dma_start3A_138 = tpu.memref_slice %arg4[%add3A_134, %dma_start3A_137] : memref<8192x1024xf32, #tpu.memory_space<hbm>> -> memref<32x1024xf32, #tpu.memory_space<hbm>>
    tpu.enqueue_dma source(%arg7 : memref<32x1024xf32, #tpu.memory_space<vmem>>) target(%dma_start3A_138 : memref<32x1024xf32, #tpu.memory_space<hbm>>) target_semaphore(%arg13 : memref<!tpu.dma_semaphore, #tpu.memory_space<semaphore_mem>>)
    %add3A_139 = arith.constant 32 : i32
    %add3A_140 = arith.addi %mul3A_2, %add3A_139 : i32
    %dma_wait3A_141 = arith.constant 0 : i32
    %dma_wait3A_142 = tpu.memref_slice %arg4[%add3A_140, %dma_wait3A_141] : memref<8192x1024xf32, #tpu.memory_space<hbm>> -> memref<32x1024xf32, #tpu.memory_space<hbm>>
    %dma_wait3A_143 = arith.constant 0 : i32
    %dma_wait3A_144 = tpu.memref_slice %arg4[%add3A_140, %dma_wait3A_143] : memref<8192x1024xf32, #tpu.memory_space<hbm>> -> memref<32x1024xf32, #tpu.memory_space<hbm>>
    tpu.wait_dma2 semaphore(%arg13 : memref<!tpu.dma_semaphore, #tpu.memory_space<semaphore_mem>>) src(%arg7 : memref<32x1024xf32, #tpu.memory_space<vmem>>) dst(%dma_wait3A_144 : memref<32x1024xf32, #tpu.memory_space<hbm>>)
    %dma_start3A_145 = arith.constant 128 : i32
    %dma_start3A_146 = tpu.memref_slice %arg5[%dma_start3A_145] : memref<256xi32, #tpu.memory_space<vmem>> -> memref<32xi32, #tpu.memory_space<vmem>>
    %dma_start3A_147 = arith.constant 0 : i32
    %dma_start3A_148 = arith.constant 0 : i32
    %dma_start3A_149 = tpu.memref_slice %arg3[%dma_start3A_147, %dma_start3A_148] : memref<32320x1024xf32, #tpu.memory_space<hbm>> -> memref<32320x1024xf32, #tpu.memory_space<hbm>>
    tpu.enqueue_indirect_dma source(%dma_start3A_149 : memref<32320x1024xf32, #tpu.memory_space<hbm>>) target(%arg7 : memref<32x1024xf32, #tpu.memory_space<vmem>>) offsets(%dma_start3A_146 : memref<32xi32, #tpu.memory_space<vmem>>) semaphore(%arg10 : memref<!tpu.dma_semaphore, #tpu.memory_space<semaphore_mem>>)
    %dma_wait3A_150 = arith.constant 64 : i32
    %dma_wait3A_151 = tpu.memref_slice %arg5[%dma_wait3A_150] : memref<256xi32, #tpu.memory_space<vmem>> -> memref<32xi32, #tpu.memory_space<vmem>>
    %dma_wait3A_152 = arith.constant 0 : i32
    %dma_wait3A_153 = arith.constant 0 : i32
    %dma_wait3A_154 = tpu.memref_slice %arg3[%dma_wait3A_152, %dma_wait3A_153] : memref<32320x1024xf32, #tpu.memory_space<hbm>> -> memref<32320x1024xf32, #tpu.memory_space<hbm>>
    tpu.wait_indirect_dma semaphore(%arg11 : memref<!tpu.dma_semaphore, #tpu.memory_space<semaphore_mem>>) src(%dma_wait3A_154 : memref<32320x1024xf32, #tpu.memory_space<hbm>>) dst(%arg8 : memref<32x1024xf32, #tpu.memory_space<vmem>>)
    %convert_element_type3A_155 = arith.extui %eq3A_88 : i1 to i32
    %cond3A_156 = arith.constant 0 : i32
    %cond3A_157 = arith.cmpi ne, %convert_element_type3A_155, %cond3A_156 : i32
    scf.if %cond3A_157 {
      %scan3A = arith.constant 0 : i32
      %scan3A_285 = arith.constant 0 : i32
      %scan3A_286 = arith.constant 32 : i32
      %scan3A_287 = arith.addi %scan3A_285, %scan3A_286 : i32
      %scan3A_288 = arith.constant 1 : i32
      %scan3A_289 = scf.for %scan3A_291 = %scan3A_285 to %scan3A_287 step %scan3A_288 iter_args(%scan3A_292 = %scan3A) -> (i32)  : i32 {
        %add3A_293 = arith.constant 64 : i32
        %add3A_294 = arith.addi %add3A_293, %scan3A_291 : i32
        %broadcast_in_dim3A = vector.broadcast %add3A_294 : i32 to vector<16xi32>
        %gather3A = tpu.vector_load_idx %arg5[%broadcast_in_dim3A] : memref<256xi32, #tpu.memory_space<vmem>>[vector<16xi32>], vector<16xi32>,
        %eq3A_295 = arith.constant 0 : i32
        %eq3A_296 = vector.broadcast %eq3A_295 : i32 to vector<16xi32>
        %eq3A_297 = arith.cmpi eq, %gather3A, %eq3A_296 : vector<16xi32>
        %jit3A_298 = arith.constant 0.000000e+00 : f32
        %jit3A_299 = arith.constant 1.000000e+00 : f32
        %broadcast_in_dim3A_300 = vector.broadcast %jit3A_298 : f32 to vector<16xf32>
        %broadcast_in_dim3A_301 = vector.broadcast %jit3A_299 : f32 to vector<16xf32>
        %select_n3A_302 = arith.select %eq3A_297, %broadcast_in_dim3A_300, %broadcast_in_dim3A_301 : vector<16xi1>, vector<16xf32>
        %scan3A_303 = arith.constant 0 : i32
        %scan3A_304 = arith.constant 0 : i32
        %scan3A_305 = arith.constant 64 : i32
        %scan3A_306 = arith.addi %scan3A_304, %scan3A_305 : i32
        %scan3A_307 = arith.constant 1 : i32
        %scan3A_308 = scf.for %scan3A_311 = %scan3A_304 to %scan3A_306 step %scan3A_307 iter_args(%scan3A_312 = %scan3A_303) -> (i32)  : i32 {
          %mul3A_313 = arith.constant 16 : i32
          %mul3A_314 = arith.muli %scan3A_311, %mul3A_313 : i32
          %get3A_315 = arith.index_cast %scan3A_291 : i32 to index
          %get3A_316 = arith.index_cast %mul3A_314 : i32 to index
          %get3A_317 = tpu.vector_load %arg8[%get3A_315, %get3A_316] {strides = array<i32>} : memref<32x1024xf32, #tpu.memory_space<vmem>>, vector<16xf32>,
          %mul3A_318 = arith.mulf %get3A_317, %select_n3A_302 : vector<16xf32>
          %mul3A_319 = arith.constant 16 : i32
          %mul3A_320 = arith.muli %scan3A_311, %mul3A_319 : i32
          %swap3A = arith.index_cast %scan3A_291 : i32 to index
          %swap3A_321 = arith.index_cast %mul3A_320 : i32 to index
          %swap3A_322 = tpu.vector_load %arg8[%swap3A, %swap3A_321] {strides = array<i32>} : memref<32x1024xf32, #tpu.memory_space<vmem>>, vector<16xf32>,
          tpu.vector_store %arg8[%swap3A, %swap3A_321], %mul3A_318 {strides = array<i32>} : memref<32x1024xf32, #tpu.memory_space<vmem>>, vector<16xf32>,
          %scan3A_323 = arith.constant 0 : i32
          scf.yield %scan3A_323 : i32
        }
        %scan3A_309 = arith.constant 64 : i32
        %scan3A_310 = arith.constant 0 : i32
        scf.yield %scan3A_310 : i32
      }
      %scan3A_290 = arith.constant 32 : i32
    } else {
    }
    %add3A_158 = arith.constant 64 : i32
    %add3A_159 = arith.addi %mul3A_2, %add3A_158 : i32
    %dma_start3A_160 = arith.constant 0 : i32
    %dma_start3A_161 = tpu.memref_slice %arg4[%add3A_159, %dma_start3A_160] : memref<8192x1024xf32, #tpu.memory_space<hbm>> -> memref<32x1024xf32, #tpu.memory_space<hbm>>
    %dma_start3A_162 = arith.constant 0 : i32
    %dma_start3A_163 = tpu.memref_slice %arg4[%add3A_159, %dma_start3A_162] : memref<8192x1024xf32, #tpu.memory_space<hbm>> -> memref<32x1024xf32, #tpu.memory_space<hbm>>
    tpu.enqueue_dma source(%arg8 : memref<32x1024xf32, #tpu.memory_space<vmem>>) target(%dma_start3A_163 : memref<32x1024xf32, #tpu.memory_space<hbm>>) target_semaphore(%arg14 : memref<!tpu.dma_semaphore, #tpu.memory_space<semaphore_mem>>)
    %add3A_164 = arith.constant 64 : i32
    %add3A_165 = arith.addi %mul3A_2, %add3A_164 : i32
    %dma_wait3A_166 = arith.constant 0 : i32
    %dma_wait3A_167 = tpu.memref_slice %arg4[%add3A_165, %dma_wait3A_166] : memref<8192x1024xf32, #tpu.memory_space<hbm>> -> memref<32x1024xf32, #tpu.memory_space<hbm>>
    %dma_wait3A_168 = arith.constant 0 : i32
    %dma_wait3A_169 = tpu.memref_slice %arg4[%add3A_165, %dma_wait3A_168] : memref<8192x1024xf32, #tpu.memory_space<hbm>> -> memref<32x1024xf32, #tpu.memory_space<hbm>>
    tpu.wait_dma2 semaphore(%arg14 : memref<!tpu.dma_semaphore, #tpu.memory_space<semaphore_mem>>) src(%arg8 : memref<32x1024xf32, #tpu.memory_space<vmem>>) dst(%dma_wait3A_169 : memref<32x1024xf32, #tpu.memory_space<hbm>>)
    %dma_start3A_170 = arith.constant 160 : i32
    %dma_start3A_171 = tpu.memref_slice %arg5[%dma_start3A_170] : memref<256xi32, #tpu.memory_space<vmem>> -> memref<32xi32, #tpu.memory_space<vmem>>
    %dma_start3A_172 = arith.constant 0 : i32
    %dma_start3A_173 = arith.constant 0 : i32
    %dma_start3A_174 = tpu.memref_slice %arg3[%dma_start3A_172, %dma_start3A_173] : memref<32320x1024xf32, #tpu.memory_space<hbm>> -> memref<32320x1024xf32, #tpu.memory_space<hbm>>
    tpu.enqueue_indirect_dma source(%dma_start3A_174 : memref<32320x1024xf32, #tpu.memory_space<hbm>>) target(%arg8 : memref<32x1024xf32, #tpu.memory_space<vmem>>) offsets(%dma_start3A_171 : memref<32xi32, #tpu.memory_space<vmem>>) semaphore(%arg11 : memref<!tpu.dma_semaphore, #tpu.memory_space<semaphore_mem>>)
    %dma_wait3A_175 = arith.constant 96 : i32
    %dma_wait3A_176 = tpu.memref_slice %arg5[%dma_wait3A_175] : memref<256xi32, #tpu.memory_space<vmem>> -> memref<32xi32, #tpu.memory_space<vmem>>
    %dma_wait3A_177 = arith.constant 0 : i32
    %dma_wait3A_178 = arith.constant 0 : i32
    %dma_wait3A_179 = tpu.memref_slice %arg3[%dma_wait3A_177, %dma_wait3A_178] : memref<32320x1024xf32, #tpu.memory_space<hbm>> -> memref<32320x1024xf32, #tpu.memory_space<hbm>>
    tpu.wait_indirect_dma semaphore(%arg9 : memref<!tpu.dma_semaphore, #tpu.memory_space<semaphore_mem>>) src(%dma_wait3A_179 : memref<32320x1024xf32, #tpu.memory_space<hbm>>) dst(%arg6 : memref<32x1024xf32, #tpu.memory_space<vmem>>)
    %convert_element_type3A_180 = arith.extui %eq3A_88 : i1 to i32
    %cond3A_181 = arith.constant 0 : i32
    %cond3A_182 = arith.cmpi ne, %convert_element_type3A_180, %cond3A_181 : i32
    scf.if %cond3A_182 {
      %scan3A = arith.constant 0 : i32
      %scan3A_285 = arith.constant 0 : i32
      %scan3A_286 = arith.constant 32 : i32
      %scan3A_287 = arith.addi %scan3A_285, %scan3A_286 : i32
      %scan3A_288 = arith.constant 1 : i32
      %scan3A_289 = scf.for %scan3A_291 = %scan3A_285 to %scan3A_287 step %scan3A_288 iter_args(%scan3A_292 = %scan3A) -> (i32)  : i32 {
        %add3A_293 = arith.constant 96 : i32
        %add3A_294 = arith.addi %add3A_293, %scan3A_291 : i32
        %broadcast_in_dim3A = vector.broadcast %add3A_294 : i32 to vector<16xi32>
        %gather3A = tpu.vector_load_idx %arg5[%broadcast_in_dim3A] : memref<256xi32, #tpu.memory_space<vmem>>[vector<16xi32>], vector<16xi32>,
        %eq3A_295 = arith.constant 0 : i32
        %eq3A_296 = vector.broadcast %eq3A_295 : i32 to vector<16xi32>
        %eq3A_297 = arith.cmpi eq, %gather3A, %eq3A_296 : vector<16xi32>
        %jit3A_298 = arith.constant 0.000000e+00 : f32
        %jit3A_299 = arith.constant 1.000000e+00 : f32
        %broadcast_in_dim3A_300 = vector.broadcast %jit3A_298 : f32 to vector<16xf32>
        %broadcast_in_dim3A_301 = vector.broadcast %jit3A_299 : f32 to vector<16xf32>
        %select_n3A_302 = arith.select %eq3A_297, %broadcast_in_dim3A_300, %broadcast_in_dim3A_301 : vector<16xi1>, vector<16xf32>
        %scan3A_303 = arith.constant 0 : i32
        %scan3A_304 = arith.constant 0 : i32
        %scan3A_305 = arith.constant 64 : i32
        %scan3A_306 = arith.addi %scan3A_304, %scan3A_305 : i32
        %scan3A_307 = arith.constant 1 : i32
        %scan3A_308 = scf.for %scan3A_311 = %scan3A_304 to %scan3A_306 step %scan3A_307 iter_args(%scan3A_312 = %scan3A_303) -> (i32)  : i32 {
          %mul3A_313 = arith.constant 16 : i32
          %mul3A_314 = arith.muli %scan3A_311, %mul3A_313 : i32
          %get3A_315 = arith.index_cast %scan3A_291 : i32 to index
          %get3A_316 = arith.index_cast %mul3A_314 : i32 to index
          %get3A_317 = tpu.vector_load %arg6[%get3A_315, %get3A_316] {strides = array<i32>} : memref<32x1024xf32, #tpu.memory_space<vmem>>, vector<16xf32>,
          %mul3A_318 = arith.mulf %get3A_317, %select_n3A_302 : vector<16xf32>
          %mul3A_319 = arith.constant 16 : i32
          %mul3A_320 = arith.muli %scan3A_311, %mul3A_319 : i32
          %swap3A = arith.index_cast %scan3A_291 : i32 to index
          %swap3A_321 = arith.index_cast %mul3A_320 : i32 to index
          %swap3A_322 = tpu.vector_load %arg6[%swap3A, %swap3A_321] {strides = array<i32>} : memref<32x1024xf32, #tpu.memory_space<vmem>>, vector<16xf32>,
          tpu.vector_store %arg6[%swap3A, %swap3A_321], %mul3A_318 {strides = array<i32>} : memref<32x1024xf32, #tpu.memory_space<vmem>>, vector<16xf32>,
          %scan3A_323 = arith.constant 0 : i32
          scf.yield %scan3A_323 : i32
        }
        %scan3A_309 = arith.constant 64 : i32
        %scan3A_310 = arith.constant 0 : i32
        scf.yield %scan3A_310 : i32
      }
      %scan3A_290 = arith.constant 32 : i32
    } else {
    }
    %add3A_183 = arith.constant 96 : i32
    %add3A_184 = arith.addi %mul3A_2, %add3A_183 : i32
    %dma_start3A_185 = arith.constant 0 : i32
    %dma_start3A_186 = tpu.memref_slice %arg4[%add3A_184, %dma_start3A_185] : memref<8192x1024xf32, #tpu.memory_space<hbm>> -> memref<32x1024xf32, #tpu.memory_space<hbm>>
    %dma_start3A_187 = arith.constant 0 : i32
    %dma_start3A_188 = tpu.memref_slice %arg4[%add3A_184, %dma_start3A_187] : memref<8192x1024xf32, #tpu.memory_space<hbm>> -> memref<32x1024xf32, #tpu.memory_space<hbm>>
    tpu.enqueue_dma source(%arg6 : memref<32x1024xf32, #tpu.memory_space<vmem>>) target(%dma_start3A_188 : memref<32x1024xf32, #tpu.memory_space<hbm>>) target_semaphore(%arg12 : memref<!tpu.dma_semaphore, #tpu.memory_space<semaphore_mem>>)
    %add3A_189 = arith.constant 96 : i32
    %add3A_190 = arith.addi %mul3A_2, %add3A_189 : i32
    %dma_wait3A_191 = arith.constant 0 : i32
    %dma_wait3A_192 = tpu.memref_slice %arg4[%add3A_190, %dma_wait3A_191] : memref<8192x1024xf32, #tpu.memory_space<hbm>> -> memref<32x1024xf32, #tpu.memory_space<hbm>>
    %dma_wait3A_193 = arith.constant 0 : i32
    %dma_wait3A_194 = tpu.memref_slice %arg4[%add3A_190, %dma_wait3A_193] : memref<8192x1024xf32, #tpu.memory_space<hbm>> -> memref<32x1024xf32, #tpu.memory_space<hbm>>
    tpu.wait_dma2 semaphore(%arg12 : memref<!tpu.dma_semaphore, #tpu.memory_space<semaphore_mem>>) src(%arg6 : memref<32x1024xf32, #tpu.memory_space<vmem>>) dst(%dma_wait3A_194 : memref<32x1024xf32, #tpu.memory_space<hbm>>)
    %dma_start3A_195 = arith.constant 192 : i32
    %dma_start3A_196 = tpu.memref_slice %arg5[%dma_start3A_195] : memref<256xi32, #tpu.memory_space<vmem>> -> memref<32xi32, #tpu.memory_space<vmem>>
    %dma_start3A_197 = arith.constant 0 : i32
    %dma_start3A_198 = arith.constant 0 : i32
    %dma_start3A_199 = tpu.memref_slice %arg3[%dma_start3A_197, %dma_start3A_198] : memref<32320x1024xf32, #tpu.memory_space<hbm>> -> memref<32320x1024xf32, #tpu.memory_space<hbm>>
    tpu.enqueue_indirect_dma source(%dma_start3A_199 : memref<32320x1024xf32, #tpu.memory_space<hbm>>) target(%arg6 : memref<32x1024xf32, #tpu.memory_space<vmem>>) offsets(%dma_start3A_196 : memref<32xi32, #tpu.memory_space<vmem>>) semaphore(%arg9 : memref<!tpu.dma_semaphore, #tpu.memory_space<semaphore_mem>>)
    %dma_wait3A_200 = arith.constant 128 : i32
    %dma_wait3A_201 = tpu.memref_slice %arg5[%dma_wait3A_200] : memref<256xi32, #tpu.memory_space<vmem>> -> memref<32xi32, #tpu.memory_space<vmem>>
    %dma_wait3A_202 = arith.constant 0 : i32
    %dma_wait3A_203 = arith.constant 0 : i32
    %dma_wait3A_204 = tpu.memref_slice %arg3[%dma_wait3A_202, %dma_wait3A_203] : memref<32320x1024xf32, #tpu.memory_space<hbm>> -> memref<32320x1024xf32, #tpu.memory_space<hbm>>
    tpu.wait_indirect_dma semaphore(%arg10 : memref<!tpu.dma_semaphore, #tpu.memory_space<semaphore_mem>>) src(%dma_wait3A_204 : memref<32320x1024xf32, #tpu.memory_space<hbm>>) dst(%arg7 : memref<32x1024xf32, #tpu.memory_space<vmem>>)
    %convert_element_type3A_205 = arith.extui %eq3A_88 : i1 to i32
    %cond3A_206 = arith.constant 0 : i32
    %cond3A_207 = arith.cmpi ne, %convert_element_type3A_205, %cond3A_206 : i32
    scf.if %cond3A_207 {
      %scan3A = arith.constant 0 : i32
      %scan3A_285 = arith.constant 0 : i32
      %scan3A_286 = arith.constant 32 : i32
      %scan3A_287 = arith.addi %scan3A_285, %scan3A_286 : i32
      %scan3A_288 = arith.constant 1 : i32
      %scan3A_289 = scf.for %scan3A_291 = %scan3A_285 to %scan3A_287 step %scan3A_288 iter_args(%scan3A_292 = %scan3A) -> (i32)  : i32 {
        %add3A_293 = arith.constant 128 : i32
        %add3A_294 = arith.addi %add3A_293, %scan3A_291 : i32
        %broadcast_in_dim3A = vector.broadcast %add3A_294 : i32 to vector<16xi32>
        %gather3A = tpu.vector_load_idx %arg5[%broadcast_in_dim3A] : memref<256xi32, #tpu.memory_space<vmem>>[vector<16xi32>], vector<16xi32>,
        %eq3A_295 = arith.constant 0 : i32
        %eq3A_296 = vector.broadcast %eq3A_295 : i32 to vector<16xi32>
        %eq3A_297 = arith.cmpi eq, %gather3A, %eq3A_296 : vector<16xi32>
        %jit3A_298 = arith.constant 0.000000e+00 : f32
        %jit3A_299 = arith.constant 1.000000e+00 : f32
        %broadcast_in_dim3A_300 = vector.broadcast %jit3A_298 : f32 to vector<16xf32>
        %broadcast_in_dim3A_301 = vector.broadcast %jit3A_299 : f32 to vector<16xf32>
        %select_n3A_302 = arith.select %eq3A_297, %broadcast_in_dim3A_300, %broadcast_in_dim3A_301 : vector<16xi1>, vector<16xf32>
        %scan3A_303 = arith.constant 0 : i32
        %scan3A_304 = arith.constant 0 : i32
        %scan3A_305 = arith.constant 64 : i32
        %scan3A_306 = arith.addi %scan3A_304, %scan3A_305 : i32
        %scan3A_307 = arith.constant 1 : i32
        %scan3A_308 = scf.for %scan3A_311 = %scan3A_304 to %scan3A_306 step %scan3A_307 iter_args(%scan3A_312 = %scan3A_303) -> (i32)  : i32 {
          %mul3A_313 = arith.constant 16 : i32
          %mul3A_314 = arith.muli %scan3A_311, %mul3A_313 : i32
          %get3A_315 = arith.index_cast %scan3A_291 : i32 to index
          %get3A_316 = arith.index_cast %mul3A_314 : i32 to index
          %get3A_317 = tpu.vector_load %arg7[%get3A_315, %get3A_316] {strides = array<i32>} : memref<32x1024xf32, #tpu.memory_space<vmem>>, vector<16xf32>,
          %mul3A_318 = arith.mulf %get3A_317, %select_n3A_302 : vector<16xf32>
          %mul3A_319 = arith.constant 16 : i32
          %mul3A_320 = arith.muli %scan3A_311, %mul3A_319 : i32
          %swap3A = arith.index_cast %scan3A_291 : i32 to index
          %swap3A_321 = arith.index_cast %mul3A_320 : i32 to index
          %swap3A_322 = tpu.vector_load %arg7[%swap3A, %swap3A_321] {strides = array<i32>} : memref<32x1024xf32, #tpu.memory_space<vmem>>, vector<16xf32>,
          tpu.vector_store %arg7[%swap3A, %swap3A_321], %mul3A_318 {strides = array<i32>} : memref<32x1024xf32, #tpu.memory_space<vmem>>, vector<16xf32>,
          %scan3A_323 = arith.constant 0 : i32
          scf.yield %scan3A_323 : i32
        }
        %scan3A_309 = arith.constant 64 : i32
        %scan3A_310 = arith.constant 0 : i32
        scf.yield %scan3A_310 : i32
      }
      %scan3A_290 = arith.constant 32 : i32
    } else {
    }
    %add3A_208 = arith.constant 128 : i32
    %add3A_209 = arith.addi %mul3A_2, %add3A_208 : i32
    %dma_start3A_210 = arith.constant 0 : i32
    %dma_start3A_211 = tpu.memref_slice %arg4[%add3A_209, %dma_start3A_210] : memref<8192x1024xf32, #tpu.memory_space<hbm>> -> memref<32x1024xf32, #tpu.memory_space<hbm>>
    %dma_start3A_212 = arith.constant 0 : i32
    %dma_start3A_213 = tpu.memref_slice %arg4[%add3A_209, %dma_start3A_212] : memref<8192x1024xf32, #tpu.memory_space<hbm>> -> memref<32x1024xf32, #tpu.memory_space<hbm>>
    tpu.enqueue_dma source(%arg7 : memref<32x1024xf32, #tpu.memory_space<vmem>>) target(%dma_start3A_213 : memref<32x1024xf32, #tpu.memory_space<hbm>>) target_semaphore(%arg13 : memref<!tpu.dma_semaphore, #tpu.memory_space<semaphore_mem>>)
    %add3A_214 = arith.constant 128 : i32
    %add3A_215 = arith.addi %mul3A_2, %add3A_214 : i32
    %dma_wait3A_216 = arith.constant 0 : i32
    %dma_wait3A_217 = tpu.memref_slice %arg4[%add3A_215, %dma_wait3A_216] : memref<8192x1024xf32, #tpu.memory_space<hbm>> -> memref<32x1024xf32, #tpu.memory_space<hbm>>
    %dma_wait3A_218 = arith.constant 0 : i32
    %dma_wait3A_219 = tpu.memref_slice %arg4[%add3A_215, %dma_wait3A_218] : memref<8192x1024xf32, #tpu.memory_space<hbm>> -> memref<32x1024xf32, #tpu.memory_space<hbm>>
    tpu.wait_dma2 semaphore(%arg13 : memref<!tpu.dma_semaphore, #tpu.memory_space<semaphore_mem>>) src(%arg7 : memref<32x1024xf32, #tpu.memory_space<vmem>>) dst(%dma_wait3A_219 : memref<32x1024xf32, #tpu.memory_space<hbm>>)
    %dma_start3A_220 = arith.constant 224 : i32
    %dma_start3A_221 = tpu.memref_slice %arg5[%dma_start3A_220] : memref<256xi32, #tpu.memory_space<vmem>> -> memref<32xi32, #tpu.memory_space<vmem>>
    %dma_start3A_222 = arith.constant 0 : i32
    %dma_start3A_223 = arith.constant 0 : i32
    %dma_start3A_224 = tpu.memref_slice %arg3[%dma_start3A_222, %dma_start3A_223] : memref<32320x1024xf32, #tpu.memory_space<hbm>> -> memref<32320x1024xf32, #tpu.memory_space<hbm>>
    tpu.enqueue_indirect_dma source(%dma_start3A_224 : memref<32320x1024xf32, #tpu.memory_space<hbm>>) target(%arg7 : memref<32x1024xf32, #tpu.memory_space<vmem>>) offsets(%dma_start3A_221 : memref<32xi32, #tpu.memory_space<vmem>>) semaphore(%arg10 : memref<!tpu.dma_semaphore, #tpu.memory_space<semaphore_mem>>)
    %dma_wait3A_225 = arith.constant 160 : i32
    %dma_wait3A_226 = tpu.memref_slice %arg5[%dma_wait3A_225] : memref<256xi32, #tpu.memory_space<vmem>> -> memref<32xi32, #tpu.memory_space<vmem>>
    %dma_wait3A_227 = arith.constant 0 : i32
    %dma_wait3A_228 = arith.constant 0 : i32
    %dma_wait3A_229 = tpu.memref_slice %arg3[%dma_wait3A_227, %dma_wait3A_228] : memref<32320x1024xf32, #tpu.memory_space<hbm>> -> memref<32320x1024xf32, #tpu.memory_space<hbm>>
    tpu.wait_indirect_dma semaphore(%arg11 : memref<!tpu.dma_semaphore, #tpu.memory_space<semaphore_mem>>) src(%dma_wait3A_229 : memref<32320x1024xf32, #tpu.memory_space<hbm>>) dst(%arg8 : memref<32x1024xf32, #tpu.memory_space<vmem>>)
    %convert_element_type3A_230 = arith.extui %eq3A_88 : i1 to i32
    %cond3A_231 = arith.constant 0 : i32
    %cond3A_232 = arith.cmpi ne, %convert_element_type3A_230, %cond3A_231 : i32
    scf.if %cond3A_232 {
      %scan3A = arith.constant 0 : i32
      %scan3A_285 = arith.constant 0 : i32
      %scan3A_286 = arith.constant 32 : i32
      %scan3A_287 = arith.addi %scan3A_285, %scan3A_286 : i32
      %scan3A_288 = arith.constant 1 : i32
      %scan3A_289 = scf.for %scan3A_291 = %scan3A_285 to %scan3A_287 step %scan3A_288 iter_args(%scan3A_292 = %scan3A) -> (i32)  : i32 {
        %add3A_293 = arith.constant 160 : i32
        %add3A_294 = arith.addi %add3A_293, %scan3A_291 : i32
        %broadcast_in_dim3A = vector.broadcast %add3A_294 : i32 to vector<16xi32>
        %gather3A = tpu.vector_load_idx %arg5[%broadcast_in_dim3A] : memref<256xi32, #tpu.memory_space<vmem>>[vector<16xi32>], vector<16xi32>,
        %eq3A_295 = arith.constant 0 : i32
        %eq3A_296 = vector.broadcast %eq3A_295 : i32 to vector<16xi32>
        %eq3A_297 = arith.cmpi eq, %gather3A, %eq3A_296 : vector<16xi32>
        %jit3A_298 = arith.constant 0.000000e+00 : f32
        %jit3A_299 = arith.constant 1.000000e+00 : f32
        %broadcast_in_dim3A_300 = vector.broadcast %jit3A_298 : f32 to vector<16xf32>
        %broadcast_in_dim3A_301 = vector.broadcast %jit3A_299 : f32 to vector<16xf32>
        %select_n3A_302 = arith.select %eq3A_297, %broadcast_in_dim3A_300, %broadcast_in_dim3A_301 : vector<16xi1>, vector<16xf32>
        %scan3A_303 = arith.constant 0 : i32
        %scan3A_304 = arith.constant 0 : i32
        %scan3A_305 = arith.constant 64 : i32
        %scan3A_306 = arith.addi %scan3A_304, %scan3A_305 : i32
        %scan3A_307 = arith.constant 1 : i32
        %scan3A_308 = scf.for %scan3A_311 = %scan3A_304 to %scan3A_306 step %scan3A_307 iter_args(%scan3A_312 = %scan3A_303) -> (i32)  : i32 {
          %mul3A_313 = arith.constant 16 : i32
          %mul3A_314 = arith.muli %scan3A_311, %mul3A_313 : i32
          %get3A_315 = arith.index_cast %scan3A_291 : i32 to index
          %get3A_316 = arith.index_cast %mul3A_314 : i32 to index
          %get3A_317 = tpu.vector_load %arg8[%get3A_315, %get3A_316] {strides = array<i32>} : memref<32x1024xf32, #tpu.memory_space<vmem>>, vector<16xf32>,
          %mul3A_318 = arith.mulf %get3A_317, %select_n3A_302 : vector<16xf32>
          %mul3A_319 = arith.constant 16 : i32
          %mul3A_320 = arith.muli %scan3A_311, %mul3A_319 : i32
          %swap3A = arith.index_cast %scan3A_291 : i32 to index
          %swap3A_321 = arith.index_cast %mul3A_320 : i32 to index
          %swap3A_322 = tpu.vector_load %arg8[%swap3A, %swap3A_321] {strides = array<i32>} : memref<32x1024xf32, #tpu.memory_space<vmem>>, vector<16xf32>,
          tpu.vector_store %arg8[%swap3A, %swap3A_321], %mul3A_318 {strides = array<i32>} : memref<32x1024xf32, #tpu.memory_space<vmem>>, vector<16xf32>,
          %scan3A_323 = arith.constant 0 : i32
          scf.yield %scan3A_323 : i32
        }
        %scan3A_309 = arith.constant 64 : i32
        %scan3A_310 = arith.constant 0 : i32
        scf.yield %scan3A_310 : i32
      }
      %scan3A_290 = arith.constant 32 : i32
    } else {
    }
    %add3A_233 = arith.constant 160 : i32
    %add3A_234 = arith.addi %mul3A_2, %add3A_233 : i32
    %dma_start3A_235 = arith.constant 0 : i32
    %dma_start3A_236 = tpu.memref_slice %arg4[%add3A_234, %dma_start3A_235] : memref<8192x1024xf32, #tpu.memory_space<hbm>> -> memref<32x1024xf32, #tpu.memory_space<hbm>>
    %dma_start3A_237 = arith.constant 0 : i32
    %dma_start3A_238 = tpu.memref_slice %arg4[%add3A_234, %dma_start3A_237] : memref<8192x1024xf32, #tpu.memory_space<hbm>> -> memref<32x1024xf32, #tpu.memory_space<hbm>>
    tpu.enqueue_dma source(%arg8 : memref<32x1024xf32, #tpu.memory_space<vmem>>) target(%dma_start3A_238 : memref<32x1024xf32, #tpu.memory_space<hbm>>) target_semaphore(%arg14 : memref<!tpu.dma_semaphore, #tpu.memory_space<semaphore_mem>>)
    %dma_wait3A_239 = arith.constant 192 : i32
    %dma_wait3A_240 = tpu.memref_slice %arg5[%dma_wait3A_239] : memref<256xi32, #tpu.memory_space<vmem>> -> memref<32xi32, #tpu.memory_space<vmem>>
    %dma_wait3A_241 = arith.constant 0 : i32
    %dma_wait3A_242 = arith.constant 0 : i32
    %dma_wait3A_243 = tpu.memref_slice %arg3[%dma_wait3A_241, %dma_wait3A_242] : memref<32320x1024xf32, #tpu.memory_space<hbm>> -> memref<32320x1024xf32, #tpu.memory_space<hbm>>
    tpu.wait_indirect_dma semaphore(%arg9 : memref<!tpu.dma_semaphore, #tpu.memory_space<semaphore_mem>>) src(%dma_wait3A_243 : memref<32320x1024xf32, #tpu.memory_space<hbm>>) dst(%arg6 : memref<32x1024xf32, #tpu.memory_space<vmem>>)
    %convert_element_type3A_244 = arith.extui %eq3A_88 : i1 to i32
    %cond3A_245 = arith.constant 0 : i32
    %cond3A_246 = arith.cmpi ne, %convert_element_type3A_244, %cond3A_245 : i32
    scf.if %cond3A_246 {
      %scan3A = arith.constant 0 : i32
      %scan3A_285 = arith.constant 0 : i32
      %scan3A_286 = arith.constant 32 : i32
      %scan3A_287 = arith.addi %scan3A_285, %scan3A_286 : i32
      %scan3A_288 = arith.constant 1 : i32
      %scan3A_289 = scf.for %scan3A_291 = %scan3A_285 to %scan3A_287 step %scan3A_288 iter_args(%scan3A_292 = %scan3A) -> (i32)  : i32 {
        %add3A_293 = arith.constant 192 : i32
        %add3A_294 = arith.addi %add3A_293, %scan3A_291 : i32
        %broadcast_in_dim3A = vector.broadcast %add3A_294 : i32 to vector<16xi32>
        %gather3A = tpu.vector_load_idx %arg5[%broadcast_in_dim3A] : memref<256xi32, #tpu.memory_space<vmem>>[vector<16xi32>], vector<16xi32>,
        %eq3A_295 = arith.constant 0 : i32
        %eq3A_296 = vector.broadcast %eq3A_295 : i32 to vector<16xi32>
        %eq3A_297 = arith.cmpi eq, %gather3A, %eq3A_296 : vector<16xi32>
        %jit3A_298 = arith.constant 0.000000e+00 : f32
        %jit3A_299 = arith.constant 1.000000e+00 : f32
        %broadcast_in_dim3A_300 = vector.broadcast %jit3A_298 : f32 to vector<16xf32>
        %broadcast_in_dim3A_301 = vector.broadcast %jit3A_299 : f32 to vector<16xf32>
        %select_n3A_302 = arith.select %eq3A_297, %broadcast_in_dim3A_300, %broadcast_in_dim3A_301 : vector<16xi1>, vector<16xf32>
        %scan3A_303 = arith.constant 0 : i32
        %scan3A_304 = arith.constant 0 : i32
        %scan3A_305 = arith.constant 64 : i32
        %scan3A_306 = arith.addi %scan3A_304, %scan3A_305 : i32
        %scan3A_307 = arith.constant 1 : i32
        %scan3A_308 = scf.for %scan3A_311 = %scan3A_304 to %scan3A_306 step %scan3A_307 iter_args(%scan3A_312 = %scan3A_303) -> (i32)  : i32 {
          %mul3A_313 = arith.constant 16 : i32
          %mul3A_314 = arith.muli %scan3A_311, %mul3A_313 : i32
          %get3A_315 = arith.index_cast %scan3A_291 : i32 to index
          %get3A_316 = arith.index_cast %mul3A_314 : i32 to index
          %get3A_317 = tpu.vector_load %arg6[%get3A_315, %get3A_316] {strides = array<i32>} : memref<32x1024xf32, #tpu.memory_space<vmem>>, vector<16xf32>,
          %mul3A_318 = arith.mulf %get3A_317, %select_n3A_302 : vector<16xf32>
          %mul3A_319 = arith.constant 16 : i32
          %mul3A_320 = arith.muli %scan3A_311, %mul3A_319 : i32
          %swap3A = arith.index_cast %scan3A_291 : i32 to index
          %swap3A_321 = arith.index_cast %mul3A_320 : i32 to index
          %swap3A_322 = tpu.vector_load %arg6[%swap3A, %swap3A_321] {strides = array<i32>} : memref<32x1024xf32, #tpu.memory_space<vmem>>, vector<16xf32>,
          tpu.vector_store %arg6[%swap3A, %swap3A_321], %mul3A_318 {strides = array<i32>} : memref<32x1024xf32, #tpu.memory_space<vmem>>, vector<16xf32>,
          %scan3A_323 = arith.constant 0 : i32
          scf.yield %scan3A_323 : i32
        }
        %scan3A_309 = arith.constant 64 : i32
        %scan3A_310 = arith.constant 0 : i32
        scf.yield %scan3A_310 : i32
      }
      %scan3A_290 = arith.constant 32 : i32
    } else {
    }
    %add3A_247 = arith.constant 192 : i32
    %add3A_248 = arith.addi %mul3A_2, %add3A_247 : i32
    %dma_start3A_249 = arith.constant 0 : i32
    %dma_start3A_250 = tpu.memref_slice %arg4[%add3A_248, %dma_start3A_249] : memref<8192x1024xf32, #tpu.memory_space<hbm>> -> memref<32x1024xf32, #tpu.memory_space<hbm>>
    %dma_start3A_251 = arith.constant 0 : i32
    %dma_start3A_252 = tpu.memref_slice %arg4[%add3A_248, %dma_start3A_251] : memref<8192x1024xf32, #tpu.memory_space<hbm>> -> memref<32x1024xf32, #tpu.memory_space<hbm>>
    tpu.enqueue_dma source(%arg6 : memref<32x1024xf32, #tpu.memory_space<vmem>>) target(%dma_start3A_252 : memref<32x1024xf32, #tpu.memory_space<hbm>>) target_semaphore(%arg12 : memref<!tpu.dma_semaphore, #tpu.memory_space<semaphore_mem>>)
    %dma_wait3A_253 = arith.constant 224 : i32
    %dma_wait3A_254 = tpu.memref_slice %arg5[%dma_wait3A_253] : memref<256xi32, #tpu.memory_space<vmem>> -> memref<32xi32, #tpu.memory_space<vmem>>
    %dma_wait3A_255 = arith.constant 0 : i32
    %dma_wait3A_256 = arith.constant 0 : i32
    %dma_wait3A_257 = tpu.memref_slice %arg3[%dma_wait3A_255, %dma_wait3A_256] : memref<32320x1024xf32, #tpu.memory_space<hbm>> -> memref<32320x1024xf32, #tpu.memory_space<hbm>>
    tpu.wait_indirect_dma semaphore(%arg10 : memref<!tpu.dma_semaphore, #tpu.memory_space<semaphore_mem>>) src(%dma_wait3A_257 : memref<32320x1024xf32, #tpu.memory_space<hbm>>) dst(%arg7 : memref<32x1024xf32, #tpu.memory_space<vmem>>)
    %convert_element_type3A_258 = arith.extui %eq3A_88 : i1 to i32
    %cond3A_259 = arith.constant 0 : i32
    %cond3A_260 = arith.cmpi ne, %convert_element_type3A_258, %cond3A_259 : i32
    scf.if %cond3A_260 {
      %scan3A = arith.constant 0 : i32
      %scan3A_285 = arith.constant 0 : i32
      %scan3A_286 = arith.constant 32 : i32
      %scan3A_287 = arith.addi %scan3A_285, %scan3A_286 : i32
      %scan3A_288 = arith.constant 1 : i32
      %scan3A_289 = scf.for %scan3A_291 = %scan3A_285 to %scan3A_287 step %scan3A_288 iter_args(%scan3A_292 = %scan3A) -> (i32)  : i32 {
        %add3A_293 = arith.constant 224 : i32
        %add3A_294 = arith.addi %add3A_293, %scan3A_291 : i32
        %broadcast_in_dim3A = vector.broadcast %add3A_294 : i32 to vector<16xi32>
        %gather3A = tpu.vector_load_idx %arg5[%broadcast_in_dim3A] : memref<256xi32, #tpu.memory_space<vmem>>[vector<16xi32>], vector<16xi32>,
        %eq3A_295 = arith.constant 0 : i32
        %eq3A_296 = vector.broadcast %eq3A_295 : i32 to vector<16xi32>
        %eq3A_297 = arith.cmpi eq, %gather3A, %eq3A_296 : vector<16xi32>
        %jit3A_298 = arith.constant 0.000000e+00 : f32
        %jit3A_299 = arith.constant 1.000000e+00 : f32
        %broadcast_in_dim3A_300 = vector.broadcast %jit3A_298 : f32 to vector<16xf32>
        %broadcast_in_dim3A_301 = vector.broadcast %jit3A_299 : f32 to vector<16xf32>
        %select_n3A_302 = arith.select %eq3A_297, %broadcast_in_dim3A_300, %broadcast_in_dim3A_301 : vector<16xi1>, vector<16xf32>
        %scan3A_303 = arith.constant 0 : i32
        %scan3A_304 = arith.constant 0 : i32
        %scan3A_305 = arith.constant 64 : i32
        %scan3A_306 = arith.addi %scan3A_304, %scan3A_305 : i32
        %scan3A_307 = arith.constant 1 : i32
        %scan3A_308 = scf.for %scan3A_311 = %scan3A_304 to %scan3A_306 step %scan3A_307 iter_args(%scan3A_312 = %scan3A_303) -> (i32)  : i32 {
          %mul3A_313 = arith.constant 16 : i32
          %mul3A_314 = arith.muli %scan3A_311, %mul3A_313 : i32
          %get3A_315 = arith.index_cast %scan3A_291 : i32 to index
          %get3A_316 = arith.index_cast %mul3A_314 : i32 to index
          %get3A_317 = tpu.vector_load %arg7[%get3A_315, %get3A_316] {strides = array<i32>} : memref<32x1024xf32, #tpu.memory_space<vmem>>, vector<16xf32>,
          %mul3A_318 = arith.mulf %get3A_317, %select_n3A_302 : vector<16xf32>
          %mul3A_319 = arith.constant 16 : i32
          %mul3A_320 = arith.muli %scan3A_311, %mul3A_319 : i32
          %swap3A = arith.index_cast %scan3A_291 : i32 to index
          %swap3A_321 = arith.index_cast %mul3A_320 : i32 to index
          %swap3A_322 = tpu.vector_load %arg7[%swap3A, %swap3A_321] {strides = array<i32>} : memref<32x1024xf32, #tpu.memory_space<vmem>>, vector<16xf32>,
          tpu.vector_store %arg7[%swap3A, %swap3A_321], %mul3A_318 {strides = array<i32>} : memref<32x1024xf32, #tpu.memory_space<vmem>>, vector<16xf32>,
          %scan3A_323 = arith.constant 0 : i32
          scf.yield %scan3A_323 : i32
        }
        %scan3A_309 = arith.constant 64 : i32
        %scan3A_310 = arith.constant 0 : i32
        scf.yield %scan3A_310 : i32
      }
      %scan3A_290 = arith.constant 32 : i32
    } else {
    }
    %add3A_261 = arith.constant 224 : i32
    %add3A_262 = arith.addi %mul3A_2, %add3A_261 : i32
    %dma_start3A_263 = arith.constant 0 : i32
    %dma_start3A_264 = tpu.memref_slice %arg4[%add3A_262, %dma_start3A_263] : memref<8192x1024xf32, #tpu.memory_space<hbm>> -> memref<32x1024xf32, #tpu.memory_space<hbm>>
    %dma_start3A_265 = arith.constant 0 : i32
    %dma_start3A_266 = tpu.memref_slice %arg4[%add3A_262, %dma_start3A_265] : memref<8192x1024xf32, #tpu.memory_space<hbm>> -> memref<32x1024xf32, #tpu.memory_space<hbm>>
    tpu.enqueue_dma source(%arg7 : memref<32x1024xf32, #tpu.memory_space<vmem>>) target(%dma_start3A_266 : memref<32x1024xf32, #tpu.memory_space<hbm>>) target_semaphore(%arg13 : memref<!tpu.dma_semaphore, #tpu.memory_space<semaphore_mem>>)
    %add3A_267 = arith.constant 160 : i32
    %add3A_268 = arith.addi %mul3A_2, %add3A_267 : i32
    %dma_wait3A_269 = arith.constant 0 : i32
    %dma_wait3A_270 = tpu.memref_slice %arg4[%add3A_268, %dma_wait3A_269] : memref<8192x1024xf32, #tpu.memory_space<hbm>> -> memref<32x1024xf32, #tpu.memory_space<hbm>>
    %dma_wait3A_271 = arith.constant 0 : i32
    %dma_wait3A_272 = tpu.memref_slice %arg4[%add3A_268, %dma_wait3A_271] : memref<8192x1024xf32, #tpu.memory_space<hbm>> -> memref<32x1024xf32, #tpu.memory_space<hbm>>
    tpu.wait_dma2 semaphore(%arg14 : memref<!tpu.dma_semaphore, #tpu.memory_space<semaphore_mem>>) src(%arg8 : memref<32x1024xf32, #tpu.memory_space<vmem>>) dst(%dma_wait3A_272 : memref<32x1024xf32, #tpu.memory_space<hbm>>)
    %add3A_273 = arith.constant 192 : i32
    %add3A_274 = arith.addi %mul3A_2, %add3A_273 : i32
    %dma_wait3A_275 = arith.constant 0 : i32
    %dma_wait3A_276 = tpu.memref_slice %arg4[%add3A_274, %dma_wait3A_275] : memref<8192x1024xf32, #tpu.memory_space<hbm>> -> memref<32x1024xf32, #tpu.memory_space<hbm>>
    %dma_wait3A_277 = arith.constant 0 : i32
    %dma_wait3A_278 = tpu.memref_slice %arg4[%add3A_274, %dma_wait3A_277] : memref<8192x1024xf32, #tpu.memory_space<hbm>> -> memref<32x1024xf32, #tpu.memory_space<hbm>>
    tpu.wait_dma2 semaphore(%arg12 : memref<!tpu.dma_semaphore, #tpu.memory_space<semaphore_mem>>) src(%arg6 : memref<32x1024xf32, #tpu.memory_space<vmem>>) dst(%dma_wait3A_278 : memref<32x1024xf32, #tpu.memory_space<hbm>>)
    %add3A_279 = arith.constant 224 : i32
    %add3A_280 = arith.addi %mul3A_2, %add3A_279 : i32
    %dma_wait3A_281 = arith.constant 0 : i32
    %dma_wait3A_282 = tpu.memref_slice %arg4[%add3A_280, %dma_wait3A_281] : memref<8192x1024xf32, #tpu.memory_space<hbm>> -> memref<32x1024xf32, #tpu.memory_space<hbm>>
    %dma_wait3A_283 = arith.constant 0 : i32
    %dma_wait3A_284 = tpu.memref_slice %arg4[%add3A_280, %dma_wait3A_283] : memref<8192x1024xf32, #tpu.memory_space<hbm>> -> memref<32x1024xf32, #tpu.memory_space<hbm>>
    tpu.wait_dma2 semaphore(%arg13 : memref<!tpu.dma_semaphore, #tpu.memory_space<semaphore_mem>>) src(%arg7 : memref<32x1024xf32, #tpu.memory_space<vmem>>) dst(%dma_wait3A_284 : memref<32x1024xf32, #tpu.memory_space<hbm>>)
    return
  }
}

</mosaic_0001>

<sc_bundles>
// kernel: kernel.3.cloned.1.call-start
scs
__scs_entry_jumppad:
0x0: {  	(pc) =	sbr.rel $0x88, $3  }
0x1: {  	(tag) =	ssettag $0x0;
	lr =	simm.s32 $0x1  }
0x2: {  	[smem:$0x3F9D] =	sst lr;
	_ =	strace $0xD0000000  }
0x3: {  	_ = 	snop  }
0x4: {  	_ = 	snop  }
0x5: {  	_ = 	snop  }
0x6: {  	_ = 	snop  }
0x7: {  	_ = 	snop  }
__scs_overlays_trampoline_lowered:
0x8: {  	[smem:$0x3FAC] =	sst s0  }
0x9: {  	[smem:$0x3FAD] =	sst s1  }
0xa: {  	[smem:$0x3FAE] =	sst s2  }
0xb: {  	[smem:$0x3FAF] =	sst s3  }
0xc: {  	[smem:$0x3FB0] =	sst s4  }
0xd: {  	[smem:$0x3FB1] =	sst s5  }
0xe: {  	[smem:$0x3FB2] =	sst s6  }
0xf: {  	[smem:$0x3FB3] =	sst s7  }
0x10: {  	[smem:$0x3FB4] =	sst s8  }
0x11: {  	[smem:$0x3FB5] =	sst s9;
	s0 =	simm.s32 @!p0 $0x0  }
0x12: {  	s1 =	sld [smem:$0x3F9B];
	s0 =	simm.s32 @p0 $0x1  }
0x13: {  	[smem:$0x3FB6] =	sst s0;
	s0 =	simm.s32 @!p1 $0x0  }
0x14: {  	s2 =	sld [smem:$0x3F9A];
	s0 =	simm.s32 @p1 $0x1  }
0x15: {  	[smem:$0x3FB7] =	sst s0;
	s0 =	simm.s32 @!p2 $0x0  }
0x16: {  	s3 =	sld [smem:$0x3FDB];
	s0 =	simm.s32 @p2 $0x1  }
0x17: {  	s4 =	simm.s32 $0x1BF5;
	[smem:$0x3FB9] =	sst s0  }
0x18: {  	s0 =	sld [smem:$0x3F9C];
	_ =	swait.ge [sflag:s4], $0x0  }
0x19: {  	s7 =	sld [smem:$0x3F9D]  }
0x1a: {  	s8 =	sadd.s32 $0xFFFFE003, lr  }
0x1b: {  	s9 =	sadd.s32 $0xFFFFFEF7, lr;
	s5 =	simm.s32 $0xFFFFFFFF;
	p2 =	slt.u32 s8, $0xFFFFF086  }
0x1c: {  	p1 =	slt.u32 s9, $0xF7A;
	s5 =	simm.s32 @!p2 $0x0  }
0x1d: {  	s5 =	simm.s32 @p1 $0x1;
	p0 =	seq.s32 s7, s2  }
0x1e: {  	s7 =	smul.u32 @!p0 $0xF7A, s2;
	p2 =	seq.s32 @!p0 s5, $0x0  }
0x1f: {  	s9 =	smul.u32 $0xF7A, s1;
	s8 =	simm.s32 @!p0 $0x1BF5;
	p2 =	por !p2, p0  }
0x20: {  	[sflag:s8] =	ssyncset.s32 @!p0 $0xFFFFF086;
	s6 =	sadd.s32 @!p0 s3, s7;
	s7 =	simm.s32 @!p0 $0x108  }
0x21: {  	s3 =	sadd.s32 s3, s9;
	s6 =	sadd.s32 @!p0 $0x88, s6;
	s7 =	simm.s32 @p2 $0x1082  }
0x22: {  	[simem:s7], [sflag:s8] =	dma.local @!p0 [hbm:s6], $0xF7A  }
0x23: {  	s9 =	sor.u32 $0xD0000000, s2;
	s6 =	simm.s32 $0x108;
	_ =	swait.ge @!p0 [sflag:s8], $0x0  }
0x24: {  	s3 =	sadd.s32 $0x88, s3;
	s6 =	simm.s32 @!p1 $0x1082;
	[sflag:s4] =	ssyncset.s32 $0xFFFFF086  }
0x25: {  	[simem:s6], [sflag:s4] =	dma.local [hbm:s3], $0xF7A  }
0x26: {  	[smem:$0x3F9D] =	sst s1;
	(tag) =	ssettag s2;
	_ =	strace s9  }
0x27: {  	s1 =	sld [smem:$0x3FAD]  }
0x28: {  	s2 =	sld [smem:$0x3FAE]  }
0x29: {  	s4 =	sld [smem:$0x3FB0]  }
0x2a: {  	p0 =	seq.s32 s5, $0x0;
	s5 =	sld [smem:$0x3FB1]  }
0x2b: {  	s6 =	sld [smem:$0x3FB2]  }
0x2c: {  	s7 =	sld [smem:$0x3FB3]  }
0x2d: {  	s3 =	simm.s32 $0x108;
	s8 =	sld [smem:$0x3FB4]  }
0x2e: {  	s3 =	simm.s32 @!p0 $0x1082;
	s9 =	sld [smem:$0x3FB5]  }
0x2f: {  	lr =	sadd.s32 s0, s3;
	s0 =	sld [smem:$0x3FAC]  }
0x30: {  	s3 =	sld [smem:$0x3FAF]  }
0x31: {  	[smem:$0x3FB8] =	sst s10  }
0x32: {  	s10 =	sld [smem:$0x3FB6];
	_ =	sdelay $0x3  }
0x33: {  	p0 =	seq.s32 s10, $0x1;
	s10 =	sld [smem:$0x3FB8];
	_ =	sdelay $0x3  }
0x34: {  	[smem:$0x3FB8] =	sst s10  }
0x35: {  	s10 =	sld [smem:$0x3FB7];
	_ =	sdelay $0x3  }
0x36: {  	p1 =	seq.s32 s10, $0x1;
	s10 =	sld [smem:$0x3FB8];
	_ =	sdelay $0x3  }
0x37: {  	[smem:$0x3FB8] =	sst s10  }
0x38: {  	s10 =	sld [smem:$0x3FB9]  }
0x39: {  	_ = 	snop;
	(pc) =	sbr.ind lr, $3  }
0x3a: {  	_ = 	snop  }
0x3b: {  	_ = 	snop  }
0x3c: {  	p2 =	seq.s32 s10, $0x1;
	s10 =	sld [smem:$0x3FB8]  }
0x3d: {  	_ =	shalt  }
0x3e: {  	_ =	shalt  }
0x3f: {  	_ =	shalt  }
0x40: {  	_ =	shalt  }
0x41: {  	_ =	shalt  }
0x42: {  	_ =	shalt  }
0x43: {  	_ =	shalt  }
0x44: {  	_ =	shalt  }
0x45: {  	_ =	shalt  }
0x46: {  	_ =	shalt  }
0x47: {  	_ =	shalt  }
0x48: {  	_ =	shalt  }
0x49: {  	_ =	shalt  }
0x4a: {  	_ =	shalt  }
0x4b: {  	_ =	shalt  }
0x4c: {  	_ =	shalt  }
0x4d: {  	_ =	shalt  }
0x4e: {  	_ =	shalt  }
0x4f: {  	_ =	shalt  }
0x50: {  	_ =	shalt  }
0x51: {  	_ =	shalt  }
0x52: {  	_ =	shalt  }
0x53: {  	_ =	shalt  }
0x54: {  	_ =	shalt  }
0x55: {  	_ =	shalt  }
0x56: {  	_ =	shalt  }
0x57: {  	_ =	shalt  }
0x58: {  	_ =	shalt  }
0x59: {  	_ =	shalt  }
0x5a: {  	_ =	shalt  }
0x5b: {  	_ =	shalt  }
0x5c: {  	_ =	shalt  }
0x5d: {  	_ =	shalt  }
0x5e: {  	_ =	shalt  }
0x5f: {  	_ =	shalt  }
0x60: {  	_ =	shalt  }
0x61: {  	_ =	shalt  }
0x62: {  	_ =	shalt  }
0x63: {  	_ =	shalt  }
0x64: {  	_ =	shalt  }
0x65: {  	_ =	shalt  }
0x66: {  	_ =	shalt  }
0x67: {  	_ =	shalt  }
0x68: {  	_ =	shalt  }
0x69: {  	_ =	shalt  }
0x6a: {  	_ =	shalt  }
0x6b: {  	_ =	shalt  }
0x6c: {  	_ =	shalt  }
0x6d: {  	_ =	shalt  }
0x6e: {  	_ =	shalt  }
0x6f: {  	_ =	shalt  }
0x70: {  	_ =	shalt  }
0x71: {  	_ =	shalt  }
0x72: {  	_ =	shalt  }
0x73: {  	_ =	shalt  }
0x74: {  	_ =	shalt  }
0x75: {  	_ =	shalt  }
0x76: {  	_ =	shalt  }
0x77: {  	_ =	shalt  }
0x78: {  	_ =	shalt  }
0x79: {  	_ =	shalt  }
0x7a: {  	_ =	shalt  }
0x7b: {  	_ =	shalt  }
0x7c: {  	_ =	shalt  }
0x7d: {  	_ =	shalt  }
0x7e: {  	_ =	shalt  }
0x7f: {  	_ =	shalt  }
0x80: {  	_ =	shalt  }
0x81: {  	_ =	shalt  }
0x82: {  	_ =	shalt  }
0x83: {  	_ =	shalt  }
0x84: {  	_ =	shalt  }
0x85: {  	_ =	shalt  }
0x86: {  	_ =	shalt  }
0x87: {  	_ =	shalt  }
.Lfunc_end0:
.L_simem_size_0:
called_computation_lowered:
.L_overlay_start_0:
0x88: {  	s2 =	sld [smem:$0x3FD9]  }
0x89: {  	s3 =	sld [smem:$0x3FFE];
	_ =	sdelay $0x1  }
0x8a: {  	s1 =	srdreg.scid  }
0x8b: {  	s0 =	sand.u32 $0x1, s1  }
0x8c: {  	s15 =	sshll.u32 s0, $0xA;
	s2 =	sadd.s32 s3, s2  }
0x8d: {  	s2 =	sadd.s32 s2, s15  }
0x8e: {  	[smem:$0x3FC4] =	sst s2  }
0x8f: {  	_ = 	snop  }
0x90: {  	s2 =	sld [smem:$0x3FD0];
	_ =	sdelay $0x1  }
0x91: {  	s16 =	sld [smem:$0x3FC7]  }
0x92: {  	s5 =	simm.s32 $0xA;
	s6 =	simm.s32 $0x10;
	s4 =	sld [smem:$0x3FC6]  }
0x93: {  	[smem:s6], [sflag:s5] =	dma.local [hbm:s2], $0x1  }
0x94: {  	_ =	swait.eq [sflag:s5], $0x1  }
0x95: {  	[sflag:s5] =	ssyncset.done $0x0  }
0x96: {  	[sflag:s5] =	ssyncadd.s32 $0xFFFFFFFF  }
0x97: {  	s17 =	sld [smem:$0x12];
	(tm) =	ssettm $0x1  }
0x98: {  	s18 =	sld [smem:$0x3FFB];
	_ =	sdelay $0x3  }
0x99: {  	_ =	strace s18  }
0x9a: {  	s5 =	sld [smem:$0x3FFC];
	_ =	sdelay $0x3  }
0x9b: {  	_ =	strace s5  }
0x9c: {  	s5 =	sld [smem:$0x3FFD];
	_ =	sdelay $0x3  }
0x9d: {  	_ =	strace s5  }
0x9e: {  	_ =	strace $0x8FFFFFFF  }
0x9f: {  	s19 =	sld [smem:$0x3FDB];
	_ =	sdelay $0x1  }
0xa0: {  	s20 =	simm.s32 $_scs_section_size  }
0xa1: {  	s7 =	simm.s32 $_size__tile_overlayer_lowered;
	s8 =	simm.s32 $_tile_overlayer_lowered  }
0xa2: {  	s23 =	simm.s32 $0x1BFF;
	s22 =	sshll.u32 s8, $0x1;
	s5 =	sadd.s32 s20, s19  }
0xa3: {  	s9 =	simm.s32 $0x0;
	s21 =	sshll.u32 s7, $0x1;
	s7 =	sadd.s32 s22, s5  }
0xa4: {  	[timem:s9], [sflag:s23] =	dma.local [hbm:s7], s21  }
0xa5: {  	_ =	swait.ge [sflag:s23], s21  }
0xa6: {  	s6 =	ssub.s32 $0x0, s21;
	[sflag:s23] =	ssyncset.done $0x0  }
0xa7: {  	[sflag:s23] =	ssyncadd.s32 s6;
	_ =	sdelay $0x1  }
0xa8: {  	s24 =	simm.s32 $0x1B8B  }
0xa9: {  	_ =	swait.ge [sflag:s24], $0x1  }
0xaa: {  	[sflag:s24] =	ssyncset.done $0x0  }
0xab: {  	s25 =	simm.s32 $0x1B8E;
	[sflag:s24] =	ssyncadd.s32 $0xFFFFFFFF  }
0xac: {  	s26 =	simm.s32 $execute0_lowered;
	[smem:$0x3FD2] =	sst s25  }
0xad: {  	s6 =	sshll.u32 s26, $0x1;
	_ =	strace $0x80000046;
	[dreg:$0x1] =	wrdreg $0xFFFFFFFF  }
0xae: {  	s28 =	simm.s32 $_size_execute0_lowered;
	s5 =	sadd.s32 s5, s6;
	[dreg:$0x0] =	wrdreg $0x0  }
0xaf: {  	s6 =	sshll.u32 s28, $0x1;
	[dreg:$0x2] =	wrdreg s5  }
0xb0: {  	[dreg:$0x3] =	wrdreg s6  }
0xb1: {  	[dreg:$0x4] =	wrdreg $0xC0  }
0xb2: {  	_ =	task [dreg:s9], $0x5FFFF  }
0xb3: {  	[dreg:$0x1] =	wrdreg $0xFFFFFFFF  }
0xb4: {  	[dreg:$0x0] =	wrdreg $0x60  }
0xb5: {  	[dreg:$0x2] =	wrdreg s16  }
0xb6: {  	[dreg:$0x3] =	wrdreg s4  }
0xb7: {  	[dreg:$0x4] =	wrdreg s17  }
0xb8: {  	[dreg:$0x5] =	wrdreg $0x9  }
0xb9: {  	_ =	task.clear_ibuf [dreg:s9], $0x6FFFF;
	_ =	strace $0x90000046  }
0xba: {  	s29 =	simm.s32 $0x9;
	_ =	strace $0x80000048  }
0xbb: {  	_ =	swait.ge [sflag:s29], $0x1  }
0xbc: {  	[sflag:s29] =	ssyncadd.s32 $0xFFFFFFFF  }
0xbd: {  	_ =	strace $0x90000048  }
0xbe: {  	_ =	sfence  }
0xbf: {  	s30 =	sld [smem:$0x0];
	_ =	sdelay $0x2  }
0xc0: {  	s31 =	sshll.u32 s1, $0xD;
	s1 =	sshrl.u32 s1, $0x2  }
0xc1: {  	s3 =	sand.u32 $0x4000, s31;
	s1 =	sadd.s32 s1, s30  }
0xc2: {  	s0 =	sor.u32 s3, s0;
	s1 =	sshll.u32 s1, $0x11  }
0xc3: {  	s0 =	sor.u32 s1, s0  }
0xc4: {  	s0 =	sadd.s32 $0x8F2B, s0  }
0xc5: {  	[sflag:s0] =	ssyncadd.remote.s32 $0x1  }
0xc6: {  	_ =	sfence.sel $0xFFFF  }
0xc7: {  	[dreg:$0x0] =	wrdreg $0xFFFFFFFF;
	(pc) =	sbr.abs _section_cstart, $3  }
0xc8: {  	[dreg:$0x1] =	wrdreg $0xFFFFFFFF  }
0xc9: {  	_ =	task.clear_ibuf [dreg:s9], $0x2FFFF;
	_ =	strace $0x9FFFFFFF  }
0xca: {  	(tm) =	ssettm $0x7FFFFFFF  }
0xcb: {  	_ =	shalt  }
tec
execute0_lowered:
.L_overlay_start_1:
0x0: {  	(tag) =	ssettag $0x1  }
0x1: {  	s0 =	rddreg [dreg:$0x0]  }
0x2: {  	s1 =	rddreg [dreg:$0x1]  }
0x3: {  	s2 =	rddreg [dreg:$0x2];
	s3 =	simm.s32 $0x0;
	s4 =	srdreg.scid  }
0x4: {  	s7 =	stileid.u32;
	s28 =	simm.s32 $0x10100;
	s29 =	simm.s32 $0x1  }
0x5: {  	s30 =	simm.s32 $0x4;
	s31 =	simm.s32 $0x2;
	[smem:$0x7FF] =	sst s3  }
0x6: {  	s4 =	sand.u32 $0x1, s4;
	s5 =	sshll.u32 s7, $0x1;
	s17 =	sshll.u32 s7, $0x2  }
0x7: {  	s7 =	sadd.s32 $0x300, s1;
	s6 =	ssub.s32 $0x2, s4;
	s4 =	sor.u32 s4, s5  }
0x8: {  	_ =	strace $0x80000047;
	s5 =	sand.u32 $0x30, s17;
	s8 =	sshll.u32 s4, $0x7  }
0x9: {  	s18 =	sshrl.u32 s6, $0x1;
	s0 =	sadd.s32 s0, s5;
	s19 =	sand.u32 $0x380, s8  }
0xa: {  	s17 =	simm.s32 $0x6;
	s9 =	ssub.s32 s6, s18;
	s0 =	sadd.s32 s19, s0  }
0xb: {  	s20 =	sshll.u32 s4, $0xF;
	s26 =	smax.u32 s9, $0x1;
	[dreg:$0x4] =	wrdreg s0  }
0xc: {  	s5 =	sadd.s32 $0x100, s1;
	s0 =	sadd.s32 s2, s20;
	[dreg:$0xd] =	wrdreg s26  }
0xd: {  	s6 =	sadd.s32 $0x200, s1;
	s2 =	sadd.s32 $0x1000, s0;
	[dreg:$0x5] =	wrdreg s0  }
0xe: {  	s8 =	simm.s32 $0xC100;
	s21 =	sadd.s32 $0x2000, s0;
	[dreg:$0x6] =	wrdreg s2  }
0xf: {  	s18 =	simm.s32 $0x0;
	s22 =	sadd.s32 $0x3000, s0;
	[dreg:$0x7] =	wrdreg s21  }
0x10: {  	s9 =	simm.s32 $0x8100;
	s23 =	sadd.s32 $0x4000, s0;
	[dreg:$0x8] =	wrdreg s22  }
0x11: {  	s19 =	simm.s32 $0xC900;
	s24 =	sadd.s32 $0x5000, s0;
	[dreg:$0x9] =	wrdreg s23  }
.Ltmp0:
0x12: {  	s25 =	sadd.s32 $0x6000, s0;
	[dreg:$0xa] =	wrdreg s24;
	(pc) =	sbr.rel .LBB2_1-.Ltmp0, $4  }
0x13: {  	s20 =	simm.s32 $0x100;
	s0 =	sadd.s32 $0x7000, s0;
	[dreg:$0xb] =	wrdreg s25  }
0x14: {  	v2 =	vlaneseq.u32;
	s26 =	simm.s32 $0xF900;
	[dreg:$0xc] =	wrdreg s0;
	s21 =	simm.s32 $0xD100  }
0x15: {  	vm0 =	vmmov $0xffff;
	v3 =	vimm.f32 $1.000000000e+00;
	v1 =	vshrl.u32 v2, $0x3;
	s22 =	simm.s32 $0xD900;
	s23 =	simm.s32 $0xE100;
	s24 =	simm.s32 $0xE900  }
0x16: {  	v0 =	vand.u32 $0x7, v2;
	v2 =	vor.u32 $0x8, v2;
	v1 =	vmul.u32 $0x8, v1;
	s25 =	simm.s32 $0xF100;
	s0 =	simm.s32 $0x5;
	s2 =	simm.s32 $0x3  }
.LBB2_34:
0x17: {  	s4 =	rddreg [dreg:$0xc]  }
0x18: {  	[hbm4b:s4+s3] =	stream.linear.scatter [tilespmem:s9], [sflag:$0x5], $0x8000, $0x38;
	[tilespmem:$0x18100] =	vst v63  }
0x19: {  	_ =	swait.ge [sflag:s17], $0x8000  }
0x1a: {  	[sflag:s17] =	ssyncset.done $0x0  }
0x1b: {  	[sflag:s17] =	ssyncadd.s32 $0xFFFF8000  }
0x1c: {  	_ =	swait.ge [sflag:s30], $0x8000  }
0x1d: {  	[sflag:s30] =	ssyncset.done $0x0  }
0x1e: {  	[sflag:s30] =	ssyncadd.s32 $0xFFFF8000  }
0x1f: {  	_ =	swait.ge [sflag:s0], $0x8000  }
0x20: {  	s18 =	sadd.s32 $0x1, s18;
	s16 =	rddreg [dreg:$0xd]  }
0x21: {  	p0 =	sne.s32 s18, s16  }
.Ltmp1:
0x22: {  	_ = 	snop;
	(pc) =	sbr.rel @!p0 .LBB2_35-.Ltmp1, $3  }
0x23: {  	_ =	sdelay $0x1  }
0x24: {  	[sflag:s0] =	ssyncset.done $0x0  }
0x25: {  	[sflag:s0] =	ssyncadd.s32 $0xFFFF8000  }
.LBB2_1:
0x26: {  	s4 =	rddreg [dreg:$0x4]  }
0x27: {  	s10 =	simm.s32 $0x80;
	s11 =	simm.s32 $0x200;
	s13 =	simm.s32 $0x7  }
0x28: {  	[tilespmem:s3], [sflag:$0x7] =	stream.strided.gather [hbm4b:s4+s10], $0x100, s11, s10, $0x38;
	[tilespmem:$0x18100] =	vst v63  }
0x29: {  	_ =	swait.ge [sflag:s13], $0x100  }
0x2a: {  	[sflag:s13] =	ssyncset.done $0x0  }
0x2b: {  	[sflag:s13] =	ssyncadd.s32 $0xFFFFFF00  }
0x2c: {  	v4 =	vld [tilespmem:$0x0]  }
0x2d: {  	v5 =	vld [tilespmem:$0x10]  }
0x2e: {  	v6 =	vld [tilespmem:$0x20]  }
0x2f: {  	v7 =	vld [tilespmem:$0x30]  }
0x30: {  	v8 =	vld [tilespmem:$0x40]  }
0x31: {  	v9 =	vld [tilespmem:$0x50];
	v11 =	vshll.u32 v4, $0x3  }
0x32: {  	v10 =	vld [tilespmem:$0x60];
	v13 =	vand.u32 $0x7, v4;
	v11 =	vand.u32 $0xFFFFFFC0, v11  }
0x33: {  	v12 =	vld [tilespmem:$0x70];
	v11 =	vor.u32 v13, v11  }
0x34: {  	v14 =	vld [tilespmem:$0x80];
	v15 =	vperm.xlane v11, v0  }
0x35: {  	v58 =	vld [tilespmem:$0x90]  }
0x36: {  	v16 =	vld [tilespmem:$0xA0];
	v15 =	vadd.s32 v1, v15  }
0x37: {  	v17 =	vld [tilespmem:$0xB0]  }
0x38: {  	v18 =	vld [tilespmem:$0xC0]  }
0x39: {  	v19 =	vld [tilespmem:$0xD0]  }
0x3a: {  	v20 =	vld [tilespmem:$0xE0]  }
0x3b: {  	v21 =	vld [tilespmem:$0xF0];
	[tilespmem:s20], [sflag:$0x1] =	stream.indirect_vreg.gather [hbm4b:s1+s3], $0x80, v15, vm0, $0xb8  }
0x3c: {  	s14 =	simm.s32 $0x900;
	v11 =	vperm.xlane v11, v2  }
0x3d: {  	[tilespmem:s14], [sflag:$0x1] =	stream.indirect_vreg.gather [hbm4b:s5+s3], $0x80, v15, vm0, $0xb8;
	[tilespmem:$0x18100] =	vst v63  }
0x3e: {  	s15 =	simm.s32 $0x1100;
	v11 =	vadd.s32 v1, v11  }
0x3f: {  	[tilespmem:s15], [sflag:$0x1] =	stream.indirect_vreg.gather [hbm4b:s6+s3], $0x80, v15, vm0, $0xb8;
	[tilespmem:$0x18100] =	vst v63  }
0x40: {  	s16 =	simm.s32 $0x1900  }
0x41: {  	[tilespmem:s16], [sflag:$0x1] =	stream.indirect_vreg.gather [hbm4b:s7+s3], $0x80, v15, vm0, $0xb8;
	[tilespmem:$0x18100] =	vst v63  }
0x42: {  	s10 =	simm.s32 $0x2100  }
0x43: {  	[tilespmem:s10], [sflag:$0x1] =	stream.indirect_vreg.gather [hbm4b:s1+s3], $0x80, v11, vm0, $0xb8;
	[tilespmem:$0x18100] =	vst v63  }
0x44: {  	s11 =	simm.s32 $0x2900  }
0x45: {  	[tilespmem:s11], [sflag:$0x1] =	stream.indirect_vreg.gather [hbm4b:s5+s3], $0x80, v11, vm0, $0xb8;
	[tilespmem:$0x18100] =	vst v63  }
0x46: {  	s12 =	simm.s32 $0x3100  }
0x47: {  	[tilespmem:s12], [sflag:$0x1] =	stream.indirect_vreg.gather [hbm4b:s6+s3], $0x80, v11, vm0, $0xb8;
	[tilespmem:$0x18100] =	vst v63  }
0x48: {  	s13 =	simm.s32 $0x3900  }
0x49: {  	[tilespmem:s13], [sflag:$0x1] =	stream.indirect_vreg.gather [hbm4b:s7+s3], $0x80, v11, vm0, $0xb8;
	[tilespmem:$0x18100] =	vst v63  }
0x4a: {  	v11 =	vld [tilespmem:$0x10];
	_ =	sdelay $0x4  }
0x4b: {  	v59 =	vshll.u32 v11, $0x3  }
0x4c: {  	v11 =	vand.u32 $0x7, v11;
	v15 =	vand.u32 $0xFFFFFFC0, v59  }
0x4d: {  	v11 =	vor.u32 v11, v15  }
0x4e: {  	v15 =	vperm.xlane v11, v0;
	_ =	sdelay $0x1  }
0x4f: {  	v15 =	vadd.s32 v1, v15;
	_ =	sdelay $0x3  }
0x50: {  	s14 =	simm.s32 $0x4100  }
0x51: {  	[tilespmem:s14], [sflag:$0x1] =	stream.indirect_vreg.gather [hbm4b:s1+s3], $0x80, v15, vm0, $0xb8;
	[tilespmem:$0x18100] =	vst v63  }
0x52: {  	s15 =	simm.s32 $0x4900;
	v11 =	vperm.xlane v11, v2  }
0x53: {  	[tilespmem:s15], [sflag:$0x1] =	stream.indirect_vreg.gather [hbm4b:s5+s3], $0x80, v15, vm0, $0xb8;
	[tilespmem:$0x18100] =	vst v63  }
0x54: {  	s16 =	simm.s32 $0x5100;
	v11 =	vadd.s32 v1, v11  }
0x55: {  	[tilespmem:s16], [sflag:$0x1] =	stream.indirect_vreg.gather [hbm4b:s6+s3], $0x80, v15, vm0, $0xb8;
	[tilespmem:$0x18100] =	vst v63  }
0x56: {  	s10 =	simm.s32 $0x5900  }
0x57: {  	[tilespmem:s10], [sflag:$0x1] =	stream.indirect_vreg.gather [hbm4b:s7+s3], $0x80, v15, vm0, $0xb8;
	[tilespmem:$0x18100] =	vst v63  }
0x58: {  	s11 =	simm.s32 $0x6100  }
0x59: {  	[tilespmem:s11], [sflag:$0x1] =	stream.indirect_vreg.gather [hbm4b:s1+s3], $0x80, v11, vm0, $0xb8;
	[tilespmem:$0x18100] =	vst v63  }
0x5a: {  	s12 =	simm.s32 $0x6900  }
0x5b: {  	[tilespmem:s12], [sflag:$0x1] =	stream.indirect_vreg.gather [hbm4b:s5+s3], $0x80, v11, vm0, $0xb8;
	[tilespmem:$0x18100] =	vst v63  }
0x5c: {  	s13 =	simm.s32 $0x7100  }
0x5d: {  	[tilespmem:s13], [sflag:$0x1] =	stream.indirect_vreg.gather [hbm4b:s6+s3], $0x80, v11, vm0, $0xb8;
	[tilespmem:$0x18100] =	vst v63  }
0x5e: {  	s14 =	simm.s32 $0x7900  }
0x5f: {  	[tilespmem:s14], [sflag:$0x1] =	stream.indirect_vreg.gather [hbm4b:s7+s3], $0x80, v11, vm0, $0xb8;
	[tilespmem:$0x18100] =	vst v63  }
0x60: {  	v11 =	vld [tilespmem:$0x20];
	_ =	sdelay $0x4  }
0x61: {  	v60 =	vshll.u32 v11, $0x3  }
0x62: {  	v11 =	vand.u32 $0x7, v11;
	v15 =	vand.u32 $0xFFFFFFC0, v60  }
0x63: {  	v11 =	vor.u32 v11, v15  }
0x64: {  	v15 =	vperm.xlane v11, v0;
	_ =	sdelay $0x1  }
0x65: {  	v15 =	vadd.s32 v1, v15;
	_ =	sdelay $0x4  }
0x66: {  	[tilespmem:s9], [sflag:$0x2] =	stream.indirect_vreg.gather [hbm4b:s1+s3], $0x80, v15, vm0, $0xb8;
	[tilespmem:$0x18100] =	vst v63  }
0x67: {  	s15 =	simm.s32 $0x8900;
	v11 =	vperm.xlane v11, v2  }
0x68: {  	[tilespmem:s15], [sflag:$0x2] =	stream.indirect_vreg.gather [hbm4b:s5+s3], $0x80, v15, vm0, $0xb8;
	[tilespmem:$0x18100] =	vst v63  }
0x69: {  	s16 =	simm.s32 $0x9100;
	v11 =	vadd.s32 v1, v11  }
0x6a: {  	[tilespmem:s16], [sflag:$0x2] =	stream.indirect_vreg.gather [hbm4b:s6+s3], $0x80, v15, vm0, $0xb8;
	[tilespmem:$0x18100] =	vst v63  }
0x6b: {  	s10 =	simm.s32 $0x9900  }
0x6c: {  	[tilespmem:s10], [sflag:$0x2] =	stream.indirect_vreg.gather [hbm4b:s7+s3], $0x80, v15, vm0, $0xb8;
	[tilespmem:$0x18100] =	vst v63  }
0x6d: {  	s11 =	simm.s32 $0xA100  }
0x6e: {  	[tilespmem:s11], [sflag:$0x2] =	stream.indirect_vreg.gather [hbm4b:s1+s3], $0x80, v11, vm0, $0xb8;
	[tilespmem:$0x18100] =	vst v63  }
0x6f: {  	s12 =	simm.s32 $0xA900  }
0x70: {  	[tilespmem:s12], [sflag:$0x2] =	stream.indirect_vreg.gather [hbm4b:s5+s3], $0x80, v11, vm0, $0xb8;
	[tilespmem:$0x18100] =	vst v63  }
0x71: {  	s13 =	simm.s32 $0xB100  }
0x72: {  	[tilespmem:s13], [sflag:$0x2] =	stream.indirect_vreg.gather [hbm4b:s6+s3], $0x80, v11, vm0, $0xb8;
	[tilespmem:$0x18100] =	vst v63  }
0x73: {  	s14 =	simm.s32 $0xB900  }
0x74: {  	[tilespmem:s14], [sflag:$0x2] =	stream.indirect_vreg.gather [hbm4b:s7+s3], $0x80, v11, vm0, $0xb8;
	[tilespmem:$0x18100] =	vst v63  }
0x75: {  	v11 =	vld [tilespmem:$0x30];
	_ =	sdelay $0x4  }
0x76: {  	v61 =	vshll.u32 v11, $0x3  }
0x77: {  	v11 =	vand.u32 $0x7, v11;
	v15 =	vand.u32 $0xFFFFFFC0, v61  }
0x78: {  	v11 =	vor.u32 v11, v15  }
0x79: {  	v15 =	vperm.xlane v11, v0;
	_ =	sdelay $0x1  }
0x7a: {  	v15 =	vadd.s32 v1, v15;
	_ =	sdelay $0x4  }
0x7b: {  	[tilespmem:s8], [sflag:$0x2] =	stream.indirect_vreg.gather [hbm4b:s1+s3], $0x80, v15, vm0, $0xb8;
	[tilespmem:$0x18100] =	vst v63  }
0x7c: {  	v11 =	vperm.xlane v11, v2  }
0x7d: {  	[tilespmem:s19], [sflag:$0x2] =	stream.indirect_vreg.gather [hbm4b:s5+s3], $0x80, v15, vm0, $0xb8;
	[tilespmem:$0x18100] =	vst v63  }
0x7e: {  	v11 =	vadd.s32 v1, v11  }
0x7f: {  	[tilespmem:s21], [sflag:$0x2] =	stream.indirect_vreg.gather [hbm4b:s6+s3], $0x80, v15, vm0, $0xb8;
	[tilespmem:$0x18100] =	vst v63  }
0x80: {  	_ = 	snop  }
0x81: {  	[tilespmem:s22], [sflag:$0x2] =	stream.indirect_vreg.gather [hbm4b:s7+s3], $0x80, v15, vm0, $0xb8;
	[tilespmem:$0x18100] =	vst v63  }
0x82: {  	_ = 	snop  }
0x83: {  	vm1 =	vlt.s32 v4, v5;
	[tilespmem:s23], [sflag:$0x2] =	stream.indirect_vreg.gather [hbm4b:s1+s3], $0x80, v11, vm0, $0xb8;
	[tilespmem:$0x18100] =	vst v63  }
0x84: {  	v4 =	vsel vm1, v4, v5  }
0x85: {  	vm1 =	vlt.s32 v4, v6;
	[tilespmem:s24], [sflag:$0x2] =	stream.indirect_vreg.gather [hbm4b:s5+s3], $0x80, v11, vm0, $0xb8;
	[tilespmem:$0x18100] =	vst v63  }
0x86: {  	v4 =	vsel vm1, v4, v6  }
0x87: {  	vm1 =	vlt.s32 v4, v7;
	[tilespmem:s25], [sflag:$0x2] =	stream.indirect_vreg.gather [hbm4b:s6+s3], $0x80, v11, vm0, $0xb8;
	[tilespmem:$0x18100] =	vst v63  }
0x88: {  	v4 =	vsel vm1, v4, v7  }
0x89: {  	vm1 =	vlt.s32 v4, v8;
	[tilespmem:s26], [sflag:$0x2] =	stream.indirect_vreg.gather [hbm4b:s7+s3], $0x80, v11, vm0, $0xb8;
	[tilespmem:$0x18100] =	vst v63  }
0x8a: {  	v4 =	vsel vm1, v4, v8;
	v5 =	vld [tilespmem:$0x40]  }
0x8b: {  	vm1 =	vlt.s32 v4, v9  }
0x8c: {  	v4 =	vsel vm1, v4, v9  }
0x8d: {  	vm1 =	vlt.s32 v4, v10  }
0x8e: {  	v4 =	vsel vm1, v4, v10  }
0x8f: {  	vm1 =	vlt.s32 v4, v12;
	v62 =	vshll.u32 v5, $0x3  }
0x90: {  	v4 =	vsel vm1, v4, v12;
	v5 =	vand.u32 $0x7, v5;
	v6 =	vand.u32 $0xFFFFFFC0, v62  }
0x91: {  	vm1 =	vlt.s32 v4, v14;
	v5 =	vor.u32 v5, v6  }
0x92: {  	v4 =	vsel vm1, v4, v14;
	v6 =	vperm.xlane v5, v0  }
0x93: {  	vm1 =	vlt.s32 v4, v58  }
0x94: {  	v4 =	vsel vm1, v4, v58;
	v6 =	vadd.s32 v1, v6  }
0x95: {  	vm1 =	vlt.s32 v4, v16  }
0x96: {  	v4 =	vsel vm1, v4, v16  }
0x97: {  	vm1 =	vlt.s32 v4, v17  }
0x98: {  	v4 =	vsel vm1, v4, v17  }
0x99: {  	vm1 =	vlt.s32 v4, v18;
	[tilespmem:s28], [sflag:$0x3] =	stream.indirect_vreg.gather [hbm4b:s1+s3], $0x80, v6, vm0, $0xb8;
	[tilespmem:$0x18100] =	vst v63  }
0x9a: {  	v4 =	vsel vm1, v4, v18;
	s15 =	simm.s32 $0x10900;
	v5 =	vperm.xlane v5, v2  }
0x9b: {  	vm1 =	vlt.s32 v4, v19;
	[tilespmem:s15], [sflag:$0x3] =	stream.indirect_vreg.gather [hbm4b:s5+s3], $0x80, v6, vm0, $0xb8;
	[tilespmem:$0x18100] =	vst v63  }
0x9c: {  	v4 =	vsel vm1, v4, v19;
	s16 =	simm.s32 $0x11100;
	v5 =	vadd.s32 v1, v5  }
0x9d: {  	vm1 =	vlt.s32 v4, v20;
	[tilespmem:s16], [sflag:$0x3] =	stream.indirect_vreg.gather [hbm4b:s6+s3], $0x80, v6, vm0, $0xb8;
	[tilespmem:$0x18100] =	vst v63  }
0x9e: {  	v4 =	vsel vm1, v4, v20;
	s10 =	simm.s32 $0x11900  }
0x9f: {  	vm1 =	vlt.s32 v4, v21;
	[tilespmem:s10], [sflag:$0x3] =	stream.indirect_vreg.gather [hbm4b:s7+s3], $0x80, v6, vm0, $0xb8;
	[tilespmem:$0x18100] =	vst v63  }
0xa0: {  	v4 =	vsel vm1, v4, v21;
	s11 =	simm.s32 $0x12100  }
0xa1: {  	v63 =	vxor.u32 $0x80000000, v4;
	[tilespmem:s11], [sflag:$0x3] =	stream.indirect_vreg.gather [hbm4b:s1+s3], $0x80, v5, vm0, $0xb8;
	[tilespmem:$0x18100] =	vst v63  }
0xa2: {  	(xrf1) =	vsort.ascd.msk.u32 $0xffff, v63, v4;
	s12 =	simm.s32 $0x12900  }
0xa3: {  	[tilespmem:s12], [sflag:$0x3] =	stream.indirect_vreg.gather [hbm4b:s5+s3], $0x80, v5, vm0, $0xb8;
	[tilespmem:$0x18100] =	vst v63  }
0xa4: {  	s13 =	simm.s32 $0x13100  }
0xa5: {  	[tilespmem:s13], [sflag:$0x3] =	stream.indirect_vreg.gather [hbm4b:s6+s3], $0x80, v5, vm0, $0xb8;
	[tilespmem:$0x18100] =	vst v63  }
0xa6: {  	s14 =	simm.s32 $0x13900  }
0xa7: {  	[tilespmem:s14], [sflag:$0x3] =	stream.indirect_vreg.gather [hbm4b:s7+s3], $0x80, v5, vm0, $0xb8;
	[tilespmem:$0x18100] =	vst v63  }
0xa8: {  	v4 =	vld [tilespmem:$0x50];
	_ =	sdelay $0x4  }
0xa9: {  	v5 =	vshll.u32 v4, $0x3  }
0xaa: {  	v4 =	vand.u32 $0x7, v4;
	v5 =	vand.u32 $0xFFFFFFC0, v5  }
0xab: {  	v4 =	vor.u32 v4, v5  }
0xac: {  	v6, _, _ =	vpop (xrf1);
	v5 =	vperm.xlane v4, v0  }
0xad: {  	(v2sf) =	vpush v6, $0x0  }
0xae: {  	v5 =	vadd.s32 v1, v5;
	_ =	sdelay $0x3  }
0xaf: {  	s15 =	simm.s32 $0x14100  }
0xb0: {  	[tilespmem:s15], [sflag:$0x3] =	stream.indirect_vreg.gather [hbm4b:s1+s3], $0x80, v5, vm0, $0xb8;
	[tilespmem:$0x18100] =	vst v63  }
0xb1: {  	s16 =	simm.s32 $0x14900;
	v4 =	vperm.xlane v4, v2  }
0xb2: {  	[tilespmem:s16], [sflag:$0x3] =	stream.indirect_vreg.gather [hbm4b:s5+s3], $0x80, v5, vm0, $0xb8;
	[tilespmem:$0x18100] =	vst v63  }
0xb3: {  	s10 =	simm.s32 $0x15100;
	v4 =	vadd.s32 v1, v4  }
0xb4: {  	[tilespmem:s10], [sflag:$0x3] =	stream.indirect_vreg.gather [hbm4b:s6+s3], $0x80, v5, vm0, $0xb8;
	[tilespmem:$0x18100] =	vst v63  }
0xb5: {  	s11 =	simm.s32 $0x15900  }
0xb6: {  	[tilespmem:s11], [sflag:$0x3] =	stream.indirect_vreg.gather [hbm4b:s7+s3], $0x80, v5, vm0, $0xb8;
	[tilespmem:$0x18100] =	vst v63  }
0xb7: {  	s12 =	simm.s32 $0x16100  }
0xb8: {  	[tilespmem:s12], [sflag:$0x3] =	stream.indirect_vreg.gather [hbm4b:s1+s3], $0x80, v4, vm0, $0xb8;
	[tilespmem:$0x18100] =	vst v63  }
0xb9: {  	s13 =	simm.s32 $0x16900;
	s15 =	spop (v2sf)  }
0xba: {  	[tilespmem:s13], [sflag:$0x3] =	stream.indirect_vreg.gather [hbm4b:s5+s3], $0x80, v4, vm0, $0xb8;
	[tilespmem:$0x18100] =	vst v63  }
0xbb: {  	s14 =	simm.s32 $0x17100;
	p0 =	sne.s32 s15, $0x80000000  }
0xbc: {  	[tilespmem:s14], [sflag:$0x3] =	stream.indirect_vreg.gather [hbm4b:s6+s3], $0x80, v4, vm0, $0xb8;
	[tilespmem:$0x18100] =	vst v63  }
.Ltmp2:
0xbd: {  	s16 =	simm.s32 $0x17900;
	(pc) =	sbr.rel @p0 .LBB2_5-.Ltmp2, $4  }
0xbe: {  	[tilespmem:s16], [sflag:$0x3] =	stream.indirect_vreg.gather [hbm4b:s7+s3], $0x80, v4, vm0, $0xb8;
	[tilespmem:$0x18100] =	vst v63  }
0xbf: {  	_ =	swait.ge [sflag:s29], $0x8000  }
0xc0: {  	[sflag:s29] =	ssyncset.done $0x0  }
0xc1: {  	s4 =	simm.s32 $0x0;
	[sflag:s29] =	ssyncadd.s32 $0xFFFF8000  }
.LBB2_2:
0xc2: {  	v4 =	vmov s4  }
0xc3: {  	s10 =	sshll.u32 s4, $0xA;
	s11 =	sshll.u32 s4, $0x7  }
0xc4: {  	s10 =	sand.u32 $0x6000, s10;
	s11 =	sand.u32 $0x380, s11  }
0xc5: {  	s12 =	simm.s32 $0x0;
	s10 =	sor.u32 s11, s10  }
0xc6: {  	s16 =	sand.u32 $0x1C00, s12;
	s10 =	sadd.s32 $0x100, s10  }
0xc7: {  	s11 =	sadd.s32 s16, s10;
	v4 =	vld.idx.msk [tilespmem:v4+s12+$0x0], $0xffff;
	s12 =	sand.u32 $0x70, s12  }
0xc8: {  	s11 =	sadd.s32 s12, s11  }
0xc9: {  	v5 =	vld [tilespmem:s11+$0x0];
	_ =	sdelay $0x2  }
0xca: {  	vm1 =	veq.s32 v4, $0x0  }
0xcb: {  	s12 =	simm.s32 $0x80;
	v4 =	vsel vm1, $0x0, v3  }
0xcc: {  	s14 =	simm.s32 $0x10;
	s13 =	simm.s32 $0x20;
	s15 =	sand.u32 $0x1C00, s12;
	v5 =	vmul.f32 v5, v4  }
.LBB2_3:
0xcd: {  	p1 =	sne.s32 s13, $0x3F0;
	s14 =	sand.u32 $0x70, s14;
	s15 =	sadd.s32 s15, s10  }
0xce: {  	[tilespmem:s11+$0x0] =	vst v5;
	s11 =	sadd.s32 s14, s15;
	s14 =	smov.u32 s13  }
0xcf: {  	v5 =	vld [tilespmem:s11+$0x0]  }
.Ltmp3:
0xd0: {  	(pc) =	sbr.rel @p1 .LBB2_3-.Ltmp3, $3  }
0xd1: {  	_ =	sdelay $0x1  }
0xd2: {  	s12 =	sadd.s32 $0x80, s12  }
0xd3: {  	s15 =	sand.u32 $0x1C00, s12;
	s13 =	sadd.s32 $0x10, s13;
	v5 =	vmul.f32 v5, v4  }
0xd4: {  	s12 =	sand.u32 $0x70, s14;
	s10 =	sadd.s32 s15, s10  }
0xd5: {  	s10 =	sadd.s32 s12, s10;
	[tilespmem:s11+$0x0] =	vst v5  }
0xd6: {  	v5 =	vld [tilespmem:s10+$0x0]  }
0xd7: {  	s4 =	sadd.s32 $0x1, s4  }
0xd8: {  	p1 =	sne.s32 s4, $0x20  }
.Ltmp4:
0xd9: {  	_ = 	snop;
	(pc) =	sbr.rel @p1 .LBB2_2-.Ltmp4, $3  }
0xda: {  	_ = 	snop  }
0xdb: {  	v4 =	vmul.f32 v5, v4;
	_ =	sdelay $0x1  }
0xdc: {  	[tilespmem:s10+$0x0] =	vst v4  }
.LBB2_5:
0xdd: {  	s4 =	simm.s32 $0x0;
	s10 =	rddreg [dreg:$0x5]  }
0xde: {  	[hbm4b:s10+s4] =	stream.linear.scatter [tilespmem:s20], [sflag:$0x4], $0x8000, $0x38;
	[tilespmem:$0x18100] =	vst v63  }
0xdf: {  	_ =	swait.ge [sflag:s30], $0x8000  }
0xe0: {  	[sflag:s30] =	ssyncset.done $0x0  }
0xe1: {  	[sflag:s30] =	ssyncadd.s32 $0xFFFF8000  }
0xe2: {  	v4 =	vld [tilespmem:$0x60];
	_ =	sdelay $0x4  }
0xe3: {  	v5 =	vshll.u32 v4, $0x3  }
0xe4: {  	v4 =	vand.u32 $0x7, v4;
	v5 =	vand.u32 $0xFFFFFFC0, v5  }
0xe5: {  	v4 =	vor.u32 v4, v5  }
0xe6: {  	v5 =	vperm.xlane v4, v0;
	_ =	sdelay $0x1  }
0xe7: {  	v5 =	vadd.s32 v1, v5;
	_ =	sdelay $0x4  }
0xe8: {  	[tilespmem:s20], [sflag:$0x1] =	stream.indirect_vreg.gather [hbm4b:s1+s4], $0x80, v5, vm0, $0xb8;
	[tilespmem:$0x18100] =	vst v63  }
0xe9: {  	s14 =	simm.s32 $0x900;
	v4 =	vperm.xlane v4, v2  }
0xea: {  	[tilespmem:s14], [sflag:$0x1] =	stream.indirect_vreg.gather [hbm4b:s5+s4], $0x80, v5, vm0, $0xb8;
	[tilespmem:$0x18100] =	vst v63  }
0xeb: {  	s15 =	simm.s32 $0x1100;
	v4 =	vadd.s32 v1, v4  }
0xec: {  	[tilespmem:s15], [sflag:$0x1] =	stream.indirect_vreg.gather [hbm4b:s6+s4], $0x80, v5, vm0, $0xb8;
	[tilespmem:$0x18100] =	vst v63  }
0xed: {  	s16 =	simm.s32 $0x1900  }
0xee: {  	[tilespmem:s16], [sflag:$0x1] =	stream.indirect_vreg.gather [hbm4b:s7+s4], $0x80, v5, vm0, $0xb8;
	[tilespmem:$0x18100] =	vst v63  }
0xef: {  	s11 =	simm.s32 $0x2100  }
0xf0: {  	[tilespmem:s11], [sflag:$0x1] =	stream.indirect_vreg.gather [hbm4b:s1+s4], $0x80, v4, vm0, $0xb8;
	[tilespmem:$0x18100] =	vst v63  }
0xf1: {  	s12 =	simm.s32 $0x2900  }
0xf2: {  	[tilespmem:s12], [sflag:$0x1] =	stream.indirect_vreg.gather [hbm4b:s5+s4], $0x80, v4, vm0, $0xb8;
	[tilespmem:$0x18100] =	vst v63  }
0xf3: {  	s13 =	simm.s32 $0x3100  }
0xf4: {  	[tilespmem:s13], [sflag:$0x1] =	stream.indirect_vreg.gather [hbm4b:s6+s4], $0x80, v4, vm0, $0xb8;
	[tilespmem:$0x18100] =	vst v63  }
0xf5: {  	s14 =	simm.s32 $0x3900  }
0xf6: {  	[tilespmem:s14], [sflag:$0x1] =	stream.indirect_vreg.gather [hbm4b:s7+s4], $0x80, v4, vm0, $0xb8;
	[tilespmem:$0x18100] =	vst v63  }
0xf7: {  	v4 =	vld [tilespmem:$0x70];
	_ =	sdelay $0x4  }
0xf8: {  	v5 =	vshll.u32 v4, $0x3  }
0xf9: {  	v4 =	vand.u32 $0x7, v4;
	v5 =	vand.u32 $0xFFFFFFC0, v5  }
0xfa: {  	v4 =	vor.u32 v4, v5  }
0xfb: {  	v5 =	vperm.xlane v4, v0;
	_ =	sdelay $0x1  }
0xfc: {  	v5 =	vadd.s32 v1, v5;
	_ =	sdelay $0x3  }
0xfd: {  	s15 =	simm.s32 $0x4100  }
0xfe: {  	[tilespmem:s15], [sflag:$0x1] =	stream.indirect_vreg.gather [hbm4b:s1+s4], $0x80, v5, vm0, $0xb8;
	[tilespmem:$0x18100] =	vst v63  }
0xff: {  	s16 =	simm.s32 $0x4900;
	v4 =	vperm.xlane v4, v2  }
0x100: {  	[tilespmem:s16], [sflag:$0x1] =	stream.indirect_vreg.gather [hbm4b:s5+s4], $0x80, v5, vm0, $0xb8;
	[tilespmem:$0x18100] =	vst v63  }
0x101: {  	s11 =	simm.s32 $0x5100;
	v4 =	vadd.s32 v1, v4  }
0x102: {  	[tilespmem:s11], [sflag:$0x1] =	stream.indirect_vreg.gather [hbm4b:s6+s4], $0x80, v5, vm0, $0xb8;
	[tilespmem:$0x18100] =	vst v63  }
0x103: {  	s12 =	simm.s32 $0x5900  }
0x104: {  	[tilespmem:s12], [sflag:$0x1] =	stream.indirect_vreg.gather [hbm4b:s7+s4], $0x80, v5, vm0, $0xb8;
	[tilespmem:$0x18100] =	vst v63  }
0x105: {  	s13 =	simm.s32 $0x6100  }
0x106: {  	[tilespmem:s13], [sflag:$0x1] =	stream.indirect_vreg.gather [hbm4b:s1+s4], $0x80, v4, vm0, $0xb8;
	[tilespmem:$0x18100] =	vst v63  }
0x107: {  	s14 =	simm.s32 $0x6900  }
0x108: {  	[tilespmem:s14], [sflag:$0x1] =	stream.indirect_vreg.gather [hbm4b:s5+s4], $0x80, v4, vm0, $0xb8;
	[tilespmem:$0x18100] =	vst v63  }
0x109: {  	s15 =	simm.s32 $0x7100  }
0x10a: {  	[tilespmem:s15], [sflag:$0x1] =	stream.indirect_vreg.gather [hbm4b:s6+s4], $0x80, v4, vm0, $0xb8;
	[tilespmem:$0x18100] =	vst v63  }
.Ltmp5:
0x10b: {  	s16 =	simm.s32 $0x7900;
	(pc) =	sbr.rel @p0 .LBB2_9-.Ltmp5, $4  }
0x10c: {  	[tilespmem:s16], [sflag:$0x1] =	stream.indirect_vreg.gather [hbm4b:s7+s4], $0x80, v4, vm0, $0xb8;
	[tilespmem:$0x18100] =	vst v63  }
0x10d: {  	_ =	swait.ge [sflag:s31], $0x8000  }
0x10e: {  	[sflag:s31] =	ssyncset.done $0x0  }
0x10f: {  	s10 =	simm.s32 $0x0;
	[sflag:s31] =	ssyncadd.s32 $0xFFFF8000  }
.LBB2_6:
0x110: {  	s11 =	sor.u32 $0x20, s10  }
0x111: {  	v4 =	vmov s11  }
0x112: {  	s15 =	sshll.u32 s10, $0xA;
	s12 =	sshll.u32 s10, $0x7  }
0x113: {  	s11 =	sand.u32 $0x6000, s15;
	s12 =	sand.u32 $0x380, s12  }
0x114: {  	s11 =	sor.u32 s12, s11  }
0x115: {  	s16 =	sand.u32 $0x1C00, s4;
	s11 =	sadd.s32 $0x8100, s11  }
0x116: {  	s13 =	sand.u32 $0x70, s4;
	s12 =	sadd.s32 s16, s11;
	v4 =	vld.idx.msk [tilespmem:v4+s4+$0x0], $0xffff  }
0x117: {  	s12 =	sadd.s32 s13, s12  }
0x118: {  	v5 =	vld [tilespmem:s12+$0x0];
	_ =	sdelay $0x2  }
0x119: {  	vm1 =	veq.s32 v4, $0x0  }
0x11a: {  	s13 =	simm.s32 $0x80;
	v4 =	vsel vm1, $0x0, v3  }
0x11b: {  	s14 =	simm.s32 $0x20;
	s15 =	simm.s32 $0x10;
	s16 =	sand.u32 $0x1C00, s13;
	v5 =	vmul.f32 v5, v4  }
.LBB2_7:
0x11c: {  	p1 =	sne.s32 s14, $0x3F0;
	s15 =	sand.u32 $0x70, s15;
	s16 =	sadd.s32 s16, s11  }
0x11d: {  	[tilespmem:s12+$0x0] =	vst v5;
	s12 =	sadd.s32 s15, s16;
	s15 =	smov.u32 s14  }
0x11e: {  	v5 =	vld [tilespmem:s12+$0x0]  }
.Ltmp6:
0x11f: {  	(pc) =	sbr.rel @p1 .LBB2_7-.Ltmp6, $3  }
0x120: {  	_ =	sdelay $0x1  }
0x121: {  	s13 =	sadd.s32 $0x80, s13  }
0x122: {  	s16 =	sand.u32 $0x1C00, s13;
	s14 =	sadd.s32 $0x10, s14;
	v5 =	vmul.f32 v5, v4  }
0x123: {  	s13 =	sand.u32 $0x70, s15;
	s11 =	sadd.s32 s16, s11  }
0x124: {  	s11 =	sadd.s32 s13, s11;
	[tilespmem:s12+$0x0] =	vst v5  }
0x125: {  	v5 =	vld [tilespmem:s11+$0x0]  }
0x126: {  	s10 =	sadd.s32 $0x1, s10  }
0x127: {  	p1 =	sne.s32 s10, $0x20  }
.Ltmp7:
0x128: {  	_ = 	snop;
	(pc) =	sbr.rel @p1 .LBB2_6-.Ltmp7, $3  }
0x129: {  	_ = 	snop  }
0x12a: {  	v4 =	vmul.f32 v5, v4;
	_ =	sdelay $0x1  }
0x12b: {  	[tilespmem:s11+$0x0] =	vst v4  }
.LBB2_9:
0x12c: {  	s4 =	simm.s32 $0x0;
	s10 =	rddreg [dreg:$0x6]  }
0x12d: {  	[hbm4b:s10+s4] =	stream.linear.scatter [tilespmem:s9], [sflag:$0x5], $0x8000, $0x38;
	[tilespmem:$0x18100] =	vst v63  }
0x12e: {  	_ =	swait.ge [sflag:s0], $0x8000  }
0x12f: {  	[sflag:s0] =	ssyncset.done $0x0  }
0x130: {  	[sflag:s0] =	ssyncadd.s32 $0xFFFF8000  }
0x131: {  	v4 =	vld [tilespmem:$0x80];
	_ =	sdelay $0x4  }
0x132: {  	v5 =	vshll.u32 v4, $0x3  }
0x133: {  	v4 =	vand.u32 $0x7, v4;
	v5 =	vand.u32 $0xFFFFFFC0, v5  }
0x134: {  	v4 =	vor.u32 v4, v5  }
0x135: {  	v5 =	vperm.xlane v4, v0;
	_ =	sdelay $0x1  }
0x136: {  	v5 =	vadd.s32 v1, v5;
	_ =	sdelay $0x4  }
0x137: {  	[tilespmem:s9], [sflag:$0x2] =	stream.indirect_vreg.gather [hbm4b:s1+s4], $0x80, v5, vm0, $0xb8;
	[tilespmem:$0x18100] =	vst v63  }
0x138: {  	s16 =	simm.s32 $0x8900;
	v4 =	vperm.xlane v4, v2  }
0x139: {  	[tilespmem:s16], [sflag:$0x2] =	stream.indirect_vreg.gather [hbm4b:s5+s4], $0x80, v5, vm0, $0xb8;
	[tilespmem:$0x18100] =	vst v63  }
0x13a: {  	s11 =	simm.s32 $0x9100;
	v4 =	vadd.s32 v1, v4  }
0x13b: {  	[tilespmem:s11], [sflag:$0x2] =	stream.indirect_vreg.gather [hbm4b:s6+s4], $0x80, v5, vm0, $0xb8;
	[tilespmem:$0x18100] =	vst v63  }
0x13c: {  	s12 =	simm.s32 $0x9900  }
0x13d: {  	[tilespmem:s12], [sflag:$0x2] =	stream.indirect_vreg.gather [hbm4b:s7+s4], $0x80, v5, vm0, $0xb8;
	[tilespmem:$0x18100] =	vst v63  }
0x13e: {  	s13 =	simm.s32 $0xA100  }
0x13f: {  	[tilespmem:s13], [sflag:$0x2] =	stream.indirect_vreg.gather [hbm4b:s1+s4], $0x80, v4, vm0, $0xb8;
	[tilespmem:$0x18100] =	vst v63  }
0x140: {  	s14 =	simm.s32 $0xA900  }
0x141: {  	[tilespmem:s14], [sflag:$0x2] =	stream.indirect_vreg.gather [hbm4b:s5+s4], $0x80, v4, vm0, $0xb8;
	[tilespmem:$0x18100] =	vst v63  }
0x142: {  	s15 =	simm.s32 $0xB100  }
0x143: {  	[tilespmem:s15], [sflag:$0x2] =	stream.indirect_vreg.gather [hbm4b:s6+s4], $0x80, v4, vm0, $0xb8;
	[tilespmem:$0x18100] =	vst v63  }
0x144: {  	s16 =	simm.s32 $0xB900  }
0x145: {  	[tilespmem:s16], [sflag:$0x2] =	stream.indirect_vreg.gather [hbm4b:s7+s4], $0x80, v4, vm0, $0xb8;
	[tilespmem:$0x18100] =	vst v63  }
0x146: {  	v4 =	vld [tilespmem:$0x90];
	_ =	sdelay $0x4  }
0x147: {  	v5 =	vshll.u32 v4, $0x3  }
0x148: {  	v4 =	vand.u32 $0x7, v4;
	v5 =	vand.u32 $0xFFFFFFC0, v5  }
0x149: {  	v4 =	vor.u32 v4, v5  }
0x14a: {  	v5 =	vperm.xlane v4, v0;
	_ =	sdelay $0x1  }
0x14b: {  	v5 =	vadd.s32 v1, v5;
	_ =	sdelay $0x4  }
0x14c: {  	[tilespmem:s8], [sflag:$0x2] =	stream.indirect_vreg.gather [hbm4b:s1+s4], $0x80, v5, vm0, $0xb8;
	[tilespmem:$0x18100] =	vst v63  }
0x14d: {  	v4 =	vperm.xlane v4, v2  }
0x14e: {  	[tilespmem:s19], [sflag:$0x2] =	stream.indirect_vreg.gather [hbm4b:s5+s4], $0x80, v5, vm0, $0xb8;
	[tilespmem:$0x18100] =	vst v63  }
0x14f: {  	v4 =	vadd.s32 v1, v4  }
0x150: {  	[tilespmem:s21], [sflag:$0x2] =	stream.indirect_vreg.gather [hbm4b:s6+s4], $0x80, v5, vm0, $0xb8;
	[tilespmem:$0x18100] =	vst v63  }
0x151: {  	_ = 	snop  }
0x152: {  	[tilespmem:s22], [sflag:$0x2] =	stream.indirect_vreg.gather [hbm4b:s7+s4], $0x80, v5, vm0, $0xb8;
	[tilespmem:$0x18100] =	vst v63  }
0x153: {  	_ = 	snop  }
0x154: {  	[tilespmem:s23], [sflag:$0x2] =	stream.indirect_vreg.gather [hbm4b:s1+s4], $0x80, v4, vm0, $0xb8;
	[tilespmem:$0x18100] =	vst v63  }
0x155: {  	_ = 	snop  }
0x156: {  	[tilespmem:s24], [sflag:$0x2] =	stream.indirect_vreg.gather [hbm4b:s5+s4], $0x80, v4, vm0, $0xb8;
	[tilespmem:$0x18100] =	vst v63  }
0x157: {  	_ = 	snop  }
0x158: {  	[tilespmem:s25], [sflag:$0x2] =	stream.indirect_vreg.gather [hbm4b:s6+s4], $0x80, v4, vm0, $0xb8;
	[tilespmem:$0x18100] =	vst v63  }
.Ltmp8:
0x159: {  	_ = 	snop;
	(pc) =	sbr.rel @p0 .LBB2_13-.Ltmp8, $4  }
0x15a: {  	[tilespmem:s26], [sflag:$0x2] =	stream.indirect_vreg.gather [hbm4b:s7+s4], $0x80, v4, vm0, $0xb8;
	[tilespmem:$0x18100] =	vst v63  }
0x15b: {  	_ =	swait.ge [sflag:s2], $0x8000  }
0x15c: {  	[sflag:s2] =	ssyncset.done $0x0  }
0x15d: {  	s10 =	simm.s32 $0x0;
	[sflag:s2] =	ssyncadd.s32 $0xFFFF8000  }
.LBB2_10:
0x15e: {  	s11 =	sor.u32 $0x40, s10  }
0x15f: {  	v4 =	vmov s11  }
0x160: {  	s15 =	sshll.u32 s10, $0xA;
	s12 =	sshll.u32 s10, $0x7  }
0x161: {  	s11 =	sand.u32 $0x6000, s15;
	s12 =	sand.u32 $0x380, s12  }
0x162: {  	s11 =	sor.u32 s12, s11  }
0x163: {  	s16 =	sand.u32 $0x1C00, s4;
	s11 =	sadd.s32 $0x10100, s11  }
0x164: {  	s13 =	sand.u32 $0x70, s4;
	s12 =	sadd.s32 s16, s11;
	v4 =	vld.idx.msk [tilespmem:v4+s4+$0x0], $0xffff  }
0x165: {  	s12 =	sadd.s32 s13, s12  }
0x166: {  	v5 =	vld [tilespmem:s12+$0x0];
	_ =	sdelay $0x2  }
0x167: {  	vm1 =	veq.s32 v4, $0x0  }
0x168: {  	s13 =	simm.s32 $0x80;
	v4 =	vsel vm1, $0x0, v3  }
0x169: {  	s14 =	simm.s32 $0x20;
	s15 =	simm.s32 $0x10;
	s16 =	sand.u32 $0x1C00, s13;
	v5 =	vmul.f32 v5, v4  }
.LBB2_11:
0x16a: {  	p1 =	sne.s32 s14, $0x3F0;
	s15 =	sand.u32 $0x70, s15;
	s16 =	sadd.s32 s16, s11  }
0x16b: {  	[tilespmem:s12+$0x0] =	vst v5;
	s12 =	sadd.s32 s15, s16;
	s15 =	smov.u32 s14  }
0x16c: {  	v5 =	vld [tilespmem:s12+$0x0]  }
.Ltmp9:
0x16d: {  	(pc) =	sbr.rel @p1 .LBB2_11-.Ltmp9, $3  }
0x16e: {  	_ =	sdelay $0x1  }
0x16f: {  	s13 =	sadd.s32 $0x80, s13  }
0x170: {  	s16 =	sand.u32 $0x1C00, s13;
	s14 =	sadd.s32 $0x10, s14;
	v5 =	vmul.f32 v5, v4  }
0x171: {  	s13 =	sand.u32 $0x70, s15;
	s11 =	sadd.s32 s16, s11  }
0x172: {  	s11 =	sadd.s32 s13, s11;
	[tilespmem:s12+$0x0] =	vst v5  }
0x173: {  	v5 =	vld [tilespmem:s11+$0x0]  }
0x174: {  	s10 =	sadd.s32 $0x1, s10  }
0x175: {  	p1 =	sne.s32 s10, $0x20  }
.Ltmp10:
0x176: {  	_ = 	snop;
	(pc) =	sbr.rel @p1 .LBB2_10-.Ltmp10, $3  }
0x177: {  	_ = 	snop  }
0x178: {  	v4 =	vmul.f32 v5, v4;
	_ =	sdelay $0x1  }
0x179: {  	[tilespmem:s11+$0x0] =	vst v4  }
.LBB2_13:
0x17a: {  	s4 =	simm.s32 $0x0;
	s10 =	rddreg [dreg:$0x7]  }
0x17b: {  	[hbm4b:s10+s4] =	stream.linear.scatter [tilespmem:s28], [sflag:$0x6], $0x8000, $0x38;
	[tilespmem:$0x18100] =	vst v63  }
0x17c: {  	_ =	swait.ge [sflag:s17], $0x8000  }
0x17d: {  	[sflag:s17] =	ssyncset.done $0x0  }
0x17e: {  	[sflag:s17] =	ssyncadd.s32 $0xFFFF8000  }
0x17f: {  	v4 =	vld [tilespmem:$0xA0];
	_ =	sdelay $0x4  }
0x180: {  	v5 =	vshll.u32 v4, $0x3  }
0x181: {  	v4 =	vand.u32 $0x7, v4;
	v5 =	vand.u32 $0xFFFFFFC0, v5  }
0x182: {  	v4 =	vor.u32 v4, v5  }
0x183: {  	v5 =	vperm.xlane v4, v0;
	_ =	sdelay $0x1  }
0x184: {  	v5 =	vadd.s32 v1, v5;
	_ =	sdelay $0x4  }
0x185: {  	[tilespmem:s28], [sflag:$0x3] =	stream.indirect_vreg.gather [hbm4b:s1+s4], $0x80, v5, vm0, $0xb8;
	[tilespmem:$0x18100] =	vst v63  }
0x186: {  	s14 =	simm.s32 $0x10900;
	v4 =	vperm.xlane v4, v2  }
0x187: {  	[tilespmem:s14], [sflag:$0x3] =	stream.indirect_vreg.gather [hbm4b:s5+s4], $0x80, v5, vm0, $0xb8;
	[tilespmem:$0x18100] =	vst v63  }
0x188: {  	s15 =	simm.s32 $0x11100;
	v4 =	vadd.s32 v1, v4  }
0x189: {  	[tilespmem:s15], [sflag:$0x3] =	stream.indirect_vreg.gather [hbm4b:s6+s4], $0x80, v5, vm0, $0xb8;
	[tilespmem:$0x18100] =	vst v63  }
0x18a: {  	s16 =	simm.s32 $0x11900  }
0x18b: {  	[tilespmem:s16], [sflag:$0x3] =	stream.indirect_vreg.gather [hbm4b:s7+s4], $0x80, v5, vm0, $0xb8;
	[tilespmem:$0x18100] =	vst v63  }
0x18c: {  	s11 =	simm.s32 $0x12100  }
0x18d: {  	[tilespmem:s11], [sflag:$0x3] =	stream.indirect_vreg.gather [hbm4b:s1+s4], $0x80, v4, vm0, $0xb8;
	[tilespmem:$0x18100] =	vst v63  }
0x18e: {  	s12 =	simm.s32 $0x12900  }
0x18f: {  	[tilespmem:s12], [sflag:$0x3] =	stream.indirect_vreg.gather [hbm4b:s5+s4], $0x80, v4, vm0, $0xb8;
	[tilespmem:$0x18100] =	vst v63  }
0x190: {  	s13 =	simm.s32 $0x13100  }
0x191: {  	[tilespmem:s13], [sflag:$0x3] =	stream.indirect_vreg.gather [hbm4b:s6+s4], $0x80, v4, vm0, $0xb8;
	[tilespmem:$0x18100] =	vst v63  }
0x192: {  	s14 =	simm.s32 $0x13900  }
0x193: {  	[tilespmem:s14], [sflag:$0x3] =	stream.indirect_vreg.gather [hbm4b:s7+s4], $0x80, v4, vm0, $0xb8;
	[tilespmem:$0x18100] =	vst v63  }
0x194: {  	v4 =	vld [tilespmem:$0xB0];
	_ =	sdelay $0x4  }
0x195: {  	v5 =	vshll.u32 v4, $0x3  }
0x196: {  	v4 =	vand.u32 $0x7, v4;
	v5 =	vand.u32 $0xFFFFFFC0, v5  }
0x197: {  	v4 =	vor.u32 v4, v5  }
0x198: {  	v5 =	vperm.xlane v4, v0;
	_ =	sdelay $0x1  }
0x199: {  	v5 =	vadd.s32 v1, v5;
	_ =	sdelay $0x3  }
0x19a: {  	s15 =	simm.s32 $0x14100  }
0x19b: {  	[tilespmem:s15], [sflag:$0x3] =	stream.indirect_vreg.gather [hbm4b:s1+s4], $0x80, v5, vm0, $0xb8;
	[tilespmem:$0x18100] =	vst v63  }
0x19c: {  	s16 =	simm.s32 $0x14900;
	v4 =	vperm.xlane v4, v2  }
0x19d: {  	[tilespmem:s16], [sflag:$0x3] =	stream.indirect_vreg.gather [hbm4b:s5+s4], $0x80, v5, vm0, $0xb8;
	[tilespmem:$0x18100] =	vst v63  }
0x19e: {  	s11 =	simm.s32 $0x15100;
	v4 =	vadd.s32 v1, v4  }
0x19f: {  	[tilespmem:s11], [sflag:$0x3] =	stream.indirect_vreg.gather [hbm4b:s6+s4], $0x80, v5, vm0, $0xb8;
	[tilespmem:$0x18100] =	vst v63  }
0x1a0: {  	s12 =	simm.s32 $0x15900  }
0x1a1: {  	[tilespmem:s12], [sflag:$0x3] =	stream.indirect_vreg.gather [hbm4b:s7+s4], $0x80, v5, vm0, $0xb8;
	[tilespmem:$0x18100] =	vst v63  }
0x1a2: {  	s13 =	simm.s32 $0x16100  }
0x1a3: {  	[tilespmem:s13], [sflag:$0x3] =	stream.indirect_vreg.gather [hbm4b:s1+s4], $0x80, v4, vm0, $0xb8;
	[tilespmem:$0x18100] =	vst v63  }
0x1a4: {  	s14 =	simm.s32 $0x16900  }
0x1a5: {  	[tilespmem:s14], [sflag:$0x3] =	stream.indirect_vreg.gather [hbm4b:s5+s4], $0x80, v4, vm0, $0xb8;
	[tilespmem:$0x18100] =	vst v63  }
0x1a6: {  	s15 =	simm.s32 $0x17100  }
0x1a7: {  	[tilespmem:s15], [sflag:$0x3] =	stream.indirect_vreg.gather [hbm4b:s6+s4], $0x80, v4, vm0, $0xb8;
	[tilespmem:$0x18100] =	vst v63  }
.Ltmp11:
0x1a8: {  	s16 =	simm.s32 $0x17900;
	(pc) =	sbr.rel @p0 .LBB2_17-.Ltmp11, $4  }
0x1a9: {  	[tilespmem:s16], [sflag:$0x3] =	stream.indirect_vreg.gather [hbm4b:s7+s4], $0x80, v4, vm0, $0xb8;
	[tilespmem:$0x18100] =	vst v63  }
0x1aa: {  	_ =	swait.ge [sflag:s29], $0x8000  }
0x1ab: {  	[sflag:s29] =	ssyncset.done $0x0  }
0x1ac: {  	s10 =	simm.s32 $0x0;
	[sflag:s29] =	ssyncadd.s32 $0xFFFF8000  }
.LBB2_14:
0x1ad: {  	s11 =	sor.u32 $0x60, s10  }
0x1ae: {  	v4 =	vmov s11  }
0x1af: {  	s15 =	sshll.u32 s10, $0xA;
	s12 =	sshll.u32 s10, $0x7  }
0x1b0: {  	s11 =	sand.u32 $0x6000, s15;
	s12 =	sand.u32 $0x380, s12  }
0x1b1: {  	s11 =	sor.u32 s12, s11  }
0x1b2: {  	s16 =	sand.u32 $0x1C00, s4;
	s11 =	sadd.s32 $0x100, s11  }
0x1b3: {  	s13 =	sand.u32 $0x70, s4;
	s12 =	sadd.s32 s16, s11;
	v4 =	vld.idx.msk [tilespmem:v4+s4+$0x0], $0xffff  }
0x1b4: {  	s12 =	sadd.s32 s13, s12  }
0x1b5: {  	v5 =	vld [tilespmem:s12+$0x0];
	_ =	sdelay $0x2  }
0x1b6: {  	vm1 =	veq.s32 v4, $0x0  }
0x1b7: {  	s13 =	simm.s32 $0x80;
	v4 =	vsel vm1, $0x0, v3  }
0x1b8: {  	s14 =	simm.s32 $0x20;
	s15 =	simm.s32 $0x10;
	s16 =	sand.u32 $0x1C00, s13;
	v5 =	vmul.f32 v5, v4  }
.LBB2_15:
0x1b9: {  	p1 =	sne.s32 s14, $0x3F0;
	s15 =	sand.u32 $0x70, s15;
	s16 =	sadd.s32 s16, s11  }
0x1ba: {  	[tilespmem:s12+$0x0] =	vst v5;
	s12 =	sadd.s32 s15, s16;
	s15 =	smov.u32 s14  }
0x1bb: {  	v5 =	vld [tilespmem:s12+$0x0]  }
.Ltmp12:
0x1bc: {  	(pc) =	sbr.rel @p1 .LBB2_15-.Ltmp12, $3  }
0x1bd: {  	_ =	sdelay $0x1  }
0x1be: {  	s13 =	sadd.s32 $0x80, s13  }
0x1bf: {  	s16 =	sand.u32 $0x1C00, s13;
	s14 =	sadd.s32 $0x10, s14;
	v5 =	vmul.f32 v5, v4  }
0x1c0: {  	s13 =	sand.u32 $0x70, s15;
	s11 =	sadd.s32 s16, s11  }
0x1c1: {  	s11 =	sadd.s32 s13, s11;
	[tilespmem:s12+$0x0] =	vst v5  }
0x1c2: {  	v5 =	vld [tilespmem:s11+$0x0]  }
0x1c3: {  	s10 =	sadd.s32 $0x1, s10  }
0x1c4: {  	p1 =	sne.s32 s10, $0x20  }
.Ltmp13:
0x1c5: {  	_ = 	snop;
	(pc) =	sbr.rel @p1 .LBB2_14-.Ltmp13, $3  }
0x1c6: {  	_ = 	snop  }
0x1c7: {  	v4 =	vmul.f32 v5, v4;
	_ =	sdelay $0x1  }
0x1c8: {  	[tilespmem:s11+$0x0] =	vst v4  }
.LBB2_17:
0x1c9: {  	s4 =	simm.s32 $0x0;
	s10 =	rddreg [dreg:$0x8]  }
0x1ca: {  	[hbm4b:s10+s4] =	stream.linear.scatter [tilespmem:s20], [sflag:$0x4], $0x8000, $0x38;
	[tilespmem:$0x18100] =	vst v63  }
0x1cb: {  	_ =	swait.ge [sflag:s30], $0x8000  }
0x1cc: {  	[sflag:s30] =	ssyncset.done $0x0  }
0x1cd: {  	[sflag:s30] =	ssyncadd.s32 $0xFFFF8000  }
0x1ce: {  	v4 =	vld [tilespmem:$0xC0];
	_ =	sdelay $0x4  }
0x1cf: {  	v5 =	vshll.u32 v4, $0x3  }
0x1d0: {  	v4 =	vand.u32 $0x7, v4;
	v5 =	vand.u32 $0xFFFFFFC0, v5  }
0x1d1: {  	v4 =	vor.u32 v4, v5  }
0x1d2: {  	v5 =	vperm.xlane v4, v0;
	_ =	sdelay $0x1  }
0x1d3: {  	v5 =	vadd.s32 v1, v5;
	_ =	sdelay $0x4  }
0x1d4: {  	[tilespmem:s20], [sflag:$0x1] =	stream.indirect_vreg.gather [hbm4b:s1+s4], $0x80, v5, vm0, $0xb8;
	[tilespmem:$0x18100] =	vst v63  }
0x1d5: {  	s14 =	simm.s32 $0x900;
	v4 =	vperm.xlane v4, v2  }
0x1d6: {  	[tilespmem:s14], [sflag:$0x1] =	stream.indirect_vreg.gather [hbm4b:s5+s4], $0x80, v5, vm0, $0xb8;
	[tilespmem:$0x18100] =	vst v63  }
0x1d7: {  	s15 =	simm.s32 $0x1100;
	v4 =	vadd.s32 v1, v4  }
0x1d8: {  	[tilespmem:s15], [sflag:$0x1] =	stream.indirect_vreg.gather [hbm4b:s6+s4], $0x80, v5, vm0, $0xb8;
	[tilespmem:$0x18100] =	vst v63  }
0x1d9: {  	s16 =	simm.s32 $0x1900  }
0x1da: {  	[tilespmem:s16], [sflag:$0x1] =	stream.indirect_vreg.gather [hbm4b:s7+s4], $0x80, v5, vm0, $0xb8;
	[tilespmem:$0x18100] =	vst v63  }
0x1db: {  	s11 =	simm.s32 $0x2100  }
0x1dc: {  	[tilespmem:s11], [sflag:$0x1] =	stream.indirect_vreg.gather [hbm4b:s1+s4], $0x80, v4, vm0, $0xb8;
	[tilespmem:$0x18100] =	vst v63  }
0x1dd: {  	s12 =	simm.s32 $0x2900  }
0x1de: {  	[tilespmem:s12], [sflag:$0x1] =	stream.indirect_vreg.gather [hbm4b:s5+s4], $0x80, v4, vm0, $0xb8;
	[tilespmem:$0x18100] =	vst v63  }
0x1df: {  	s13 =	simm.s32 $0x3100  }
0x1e0: {  	[tilespmem:s13], [sflag:$0x1] =	stream.indirect_vreg.gather [hbm4b:s6+s4], $0x80, v4, vm0, $0xb8;
	[tilespmem:$0x18100] =	vst v63  }
0x1e1: {  	s14 =	simm.s32 $0x3900  }
0x1e2: {  	[tilespmem:s14], [sflag:$0x1] =	stream.indirect_vreg.gather [hbm4b:s7+s4], $0x80, v4, vm0, $0xb8;
	[tilespmem:$0x18100] =	vst v63  }
0x1e3: {  	v4 =	vld [tilespmem:$0xD0];
	_ =	sdelay $0x4  }
0x1e4: {  	v5 =	vshll.u32 v4, $0x3  }
0x1e5: {  	v4 =	vand.u32 $0x7, v4;
	v5 =	vand.u32 $0xFFFFFFC0, v5  }
0x1e6: {  	v4 =	vor.u32 v4, v5  }
0x1e7: {  	v5 =	vperm.xlane v4, v0;
	_ =	sdelay $0x1  }
0x1e8: {  	v5 =	vadd.s32 v1, v5;
	_ =	sdelay $0x3  }
0x1e9: {  	s15 =	simm.s32 $0x4100  }
0x1ea: {  	[tilespmem:s15], [sflag:$0x1] =	stream.indirect_vreg.gather [hbm4b:s1+s4], $0x80, v5, vm0, $0xb8;
	[tilespmem:$0x18100] =	vst v63  }
0x1eb: {  	s16 =	simm.s32 $0x4900;
	v4 =	vperm.xlane v4, v2  }
0x1ec: {  	[tilespmem:s16], [sflag:$0x1] =	stream.indirect_vreg.gather [hbm4b:s5+s4], $0x80, v5, vm0, $0xb8;
	[tilespmem:$0x18100] =	vst v63  }
0x1ed: {  	s11 =	simm.s32 $0x5100;
	v4 =	vadd.s32 v1, v4  }
0x1ee: {  	[tilespmem:s11], [sflag:$0x1] =	stream.indirect_vreg.gather [hbm4b:s6+s4], $0x80, v5, vm0, $0xb8;
	[tilespmem:$0x18100] =	vst v63  }
0x1ef: {  	s12 =	simm.s32 $0x5900  }
0x1f0: {  	[tilespmem:s12], [sflag:$0x1] =	stream.indirect_vreg.gather [hbm4b:s7+s4], $0x80, v5, vm0, $0xb8;
	[tilespmem:$0x18100] =	vst v63  }
0x1f1: {  	s13 =	simm.s32 $0x6100  }
0x1f2: {  	[tilespmem:s13], [sflag:$0x1] =	stream.indirect_vreg.gather [hbm4b:s1+s4], $0x80, v4, vm0, $0xb8;
	[tilespmem:$0x18100] =	vst v63  }
0x1f3: {  	s14 =	simm.s32 $0x6900  }
0x1f4: {  	[tilespmem:s14], [sflag:$0x1] =	stream.indirect_vreg.gather [hbm4b:s5+s4], $0x80, v4, vm0, $0xb8;
	[tilespmem:$0x18100] =	vst v63  }
0x1f5: {  	s15 =	simm.s32 $0x7100  }
0x1f6: {  	[tilespmem:s15], [sflag:$0x1] =	stream.indirect_vreg.gather [hbm4b:s6+s4], $0x80, v4, vm0, $0xb8;
	[tilespmem:$0x18100] =	vst v63  }
.Ltmp14:
0x1f7: {  	s16 =	simm.s32 $0x7900;
	(pc) =	sbr.rel @p0 .LBB2_21-.Ltmp14, $4  }
0x1f8: {  	[tilespmem:s16], [sflag:$0x1] =	stream.indirect_vreg.gather [hbm4b:s7+s4], $0x80, v4, vm0, $0xb8;
	[tilespmem:$0x18100] =	vst v63  }
0x1f9: {  	_ =	swait.ge [sflag:s31], $0x8000  }
0x1fa: {  	[sflag:s31] =	ssyncset.done $0x0  }
0x1fb: {  	s10 =	simm.s32 $0x0;
	[sflag:s31] =	ssyncadd.s32 $0xFFFF8000  }
.LBB2_18:
0x1fc: {  	s11 =	sor.u32 $0x80, s10  }
0x1fd: {  	v4 =	vmov s11  }
0x1fe: {  	s15 =	sshll.u32 s10, $0xA;
	s12 =	sshll.u32 s10, $0x7  }
0x1ff: {  	s11 =	sand.u32 $0x6000, s15;
	s12 =	sand.u32 $0x380, s12  }
0x200: {  	s11 =	sor.u32 s12, s11  }
0x201: {  	s16 =	sand.u32 $0x1C00, s4;
	s11 =	sadd.s32 $0x8100, s11  }
0x202: {  	s13 =	sand.u32 $0x70, s4;
	s12 =	sadd.s32 s16, s11;
	v4 =	vld.idx.msk [tilespmem:v4+s4+$0x0], $0xffff  }
0x203: {  	s12 =	sadd.s32 s13, s12  }
0x204: {  	v5 =	vld [tilespmem:s12+$0x0];
	_ =	sdelay $0x2  }
0x205: {  	vm1 =	veq.s32 v4, $0x0  }
0x206: {  	s13 =	simm.s32 $0x80;
	v4 =	vsel vm1, $0x0, v3  }
0x207: {  	s14 =	simm.s32 $0x20;
	s15 =	simm.s32 $0x10;
	s16 =	sand.u32 $0x1C00, s13;
	v5 =	vmul.f32 v5, v4  }
.LBB2_19:
0x208: {  	p1 =	sne.s32 s14, $0x3F0;
	s15 =	sand.u32 $0x70, s15;
	s16 =	sadd.s32 s16, s11  }
0x209: {  	[tilespmem:s12+$0x0] =	vst v5;
	s12 =	sadd.s32 s15, s16;
	s15 =	smov.u32 s14  }
0x20a: {  	v5 =	vld [tilespmem:s12+$0x0]  }
.Ltmp15:
0x20b: {  	(pc) =	sbr.rel @p1 .LBB2_19-.Ltmp15, $3  }
0x20c: {  	_ =	sdelay $0x1  }
0x20d: {  	s13 =	sadd.s32 $0x80, s13  }
0x20e: {  	s16 =	sand.u32 $0x1C00, s13;
	s14 =	sadd.s32 $0x10, s14;
	v5 =	vmul.f32 v5, v4  }
0x20f: {  	s13 =	sand.u32 $0x70, s15;
	s11 =	sadd.s32 s16, s11  }
0x210: {  	s11 =	sadd.s32 s13, s11;
	[tilespmem:s12+$0x0] =	vst v5  }
0x211: {  	v5 =	vld [tilespmem:s11+$0x0]  }
0x212: {  	s10 =	sadd.s32 $0x1, s10  }
0x213: {  	p1 =	sne.s32 s10, $0x20  }
.Ltmp16:
0x214: {  	_ = 	snop;
	(pc) =	sbr.rel @p1 .LBB2_18-.Ltmp16, $3  }
0x215: {  	_ = 	snop  }
0x216: {  	v4 =	vmul.f32 v5, v4;
	_ =	sdelay $0x1  }
0x217: {  	[tilespmem:s11+$0x0] =	vst v4  }
.LBB2_21:
0x218: {  	s4 =	simm.s32 $0x0;
	s10 =	rddreg [dreg:$0x9]  }
0x219: {  	[hbm4b:s10+s4] =	stream.linear.scatter [tilespmem:s9], [sflag:$0x5], $0x8000, $0x38;
	[tilespmem:$0x18100] =	vst v63  }
0x21a: {  	_ =	swait.ge [sflag:s0], $0x8000  }
0x21b: {  	[sflag:s0] =	ssyncset.done $0x0  }
0x21c: {  	[sflag:s0] =	ssyncadd.s32 $0xFFFF8000  }
0x21d: {  	v4 =	vld [tilespmem:$0xE0];
	_ =	sdelay $0x4  }
0x21e: {  	v5 =	vshll.u32 v4, $0x3  }
0x21f: {  	v4 =	vand.u32 $0x7, v4;
	v5 =	vand.u32 $0xFFFFFFC0, v5  }
0x220: {  	v4 =	vor.u32 v4, v5  }
0x221: {  	v5 =	vperm.xlane v4, v0;
	_ =	sdelay $0x1  }
0x222: {  	v5 =	vadd.s32 v1, v5;
	_ =	sdelay $0x4  }
0x223: {  	[tilespmem:s9], [sflag:$0x2] =	stream.indirect_vreg.gather [hbm4b:s1+s4], $0x80, v5, vm0, $0xb8;
	[tilespmem:$0x18100] =	vst v63  }
0x224: {  	s16 =	simm.s32 $0x8900;
	v4 =	vperm.xlane v4, v2  }
0x225: {  	[tilespmem:s16], [sflag:$0x2] =	stream.indirect_vreg.gather [hbm4b:s5+s4], $0x80, v5, vm0, $0xb8;
	[tilespmem:$0x18100] =	vst v63  }
0x226: {  	s11 =	simm.s32 $0x9100;
	v4 =	vadd.s32 v1, v4  }
0x227: {  	[tilespmem:s11], [sflag:$0x2] =	stream.indirect_vreg.gather [hbm4b:s6+s4], $0x80, v5, vm0, $0xb8;
	[tilespmem:$0x18100] =	vst v63  }
0x228: {  	s12 =	simm.s32 $0x9900  }
0x229: {  	[tilespmem:s12], [sflag:$0x2] =	stream.indirect_vreg.gather [hbm4b:s7+s4], $0x80, v5, vm0, $0xb8;
	[tilespmem:$0x18100] =	vst v63  }
0x22a: {  	s13 =	simm.s32 $0xA100  }
0x22b: {  	[tilespmem:s13], [sflag:$0x2] =	stream.indirect_vreg.gather [hbm4b:s1+s4], $0x80, v4, vm0, $0xb8;
	[tilespmem:$0x18100] =	vst v63  }
0x22c: {  	s14 =	simm.s32 $0xA900  }
0x22d: {  	[tilespmem:s14], [sflag:$0x2] =	stream.indirect_vreg.gather [hbm4b:s5+s4], $0x80, v4, vm0, $0xb8;
	[tilespmem:$0x18100] =	vst v63  }
0x22e: {  	s15 =	simm.s32 $0xB100  }
0x22f: {  	[tilespmem:s15], [sflag:$0x2] =	stream.indirect_vreg.gather [hbm4b:s6+s4], $0x80, v4, vm0, $0xb8;
	[tilespmem:$0x18100] =	vst v63  }
0x230: {  	s16 =	simm.s32 $0xB900  }
0x231: {  	[tilespmem:s16], [sflag:$0x2] =	stream.indirect_vreg.gather [hbm4b:s7+s4], $0x80, v4, vm0, $0xb8;
	[tilespmem:$0x18100] =	vst v63  }
0x232: {  	v4 =	vld [tilespmem:$0xF0];
	_ =	sdelay $0x4  }
0x233: {  	v5 =	vshll.u32 v4, $0x3  }
0x234: {  	v4 =	vand.u32 $0x7, v4;
	v5 =	vand.u32 $0xFFFFFFC0, v5  }
0x235: {  	v4 =	vor.u32 v4, v5  }
0x236: {  	v5 =	vperm.xlane v4, v0;
	_ =	sdelay $0x1  }
0x237: {  	v5 =	vadd.s32 v1, v5;
	_ =	sdelay $0x4  }
0x238: {  	[tilespmem:s8], [sflag:$0x2] =	stream.indirect_vreg.gather [hbm4b:s1+s4], $0x80, v5, vm0, $0xb8;
	[tilespmem:$0x18100] =	vst v63  }
0x239: {  	v4 =	vperm.xlane v4, v2  }
0x23a: {  	[tilespmem:s19], [sflag:$0x2] =	stream.indirect_vreg.gather [hbm4b:s5+s4], $0x80, v5, vm0, $0xb8;
	[tilespmem:$0x18100] =	vst v63  }
0x23b: {  	v4 =	vadd.s32 v1, v4  }
0x23c: {  	[tilespmem:s21], [sflag:$0x2] =	stream.indirect_vreg.gather [hbm4b:s6+s4], $0x80, v5, vm0, $0xb8;
	[tilespmem:$0x18100] =	vst v63  }
0x23d: {  	_ = 	snop  }
0x23e: {  	[tilespmem:s22], [sflag:$0x2] =	stream.indirect_vreg.gather [hbm4b:s7+s4], $0x80, v5, vm0, $0xb8;
	[tilespmem:$0x18100] =	vst v63  }
0x23f: {  	_ = 	snop  }
0x240: {  	[tilespmem:s23], [sflag:$0x2] =	stream.indirect_vreg.gather [hbm4b:s1+s4], $0x80, v4, vm0, $0xb8;
	[tilespmem:$0x18100] =	vst v63  }
0x241: {  	_ = 	snop  }
0x242: {  	[tilespmem:s24], [sflag:$0x2] =	stream.indirect_vreg.gather [hbm4b:s5+s4], $0x80, v4, vm0, $0xb8;
	[tilespmem:$0x18100] =	vst v63  }
0x243: {  	_ = 	snop  }
0x244: {  	[tilespmem:s25], [sflag:$0x2] =	stream.indirect_vreg.gather [hbm4b:s6+s4], $0x80, v4, vm0, $0xb8;
	[tilespmem:$0x18100] =	vst v63  }
.Ltmp17:
0x245: {  	_ = 	snop;
	(pc) =	sbr.rel @p0 .LBB2_29-.Ltmp17, $4  }
0x246: {  	[tilespmem:s26], [sflag:$0x2] =	stream.indirect_vreg.gather [hbm4b:s7+s4], $0x80, v4, vm0, $0xb8;
	[tilespmem:$0x18100] =	vst v63  }
0x247: {  	_ =	swait.ge [sflag:s2], $0x8000  }
0x248: {  	[sflag:s2] =	ssyncset.done $0x0  }
0x249: {  	s10 =	simm.s32 $0x0;
	[sflag:s2] =	ssyncadd.s32 $0xFFFF8000  }
.LBB2_22:
0x24a: {  	s11 =	sor.u32 $0xA0, s10  }
0x24b: {  	v4 =	vmov s11  }
0x24c: {  	s15 =	sshll.u32 s10, $0xA;
	s12 =	sshll.u32 s10, $0x7  }
0x24d: {  	s11 =	sand.u32 $0x6000, s15;
	s12 =	sand.u32 $0x380, s12  }
0x24e: {  	s11 =	sor.u32 s12, s11  }
0x24f: {  	s16 =	sand.u32 $0x1C00, s4;
	s11 =	sadd.s32 $0x10100, s11  }
0x250: {  	s13 =	sand.u32 $0x70, s4;
	s12 =	sadd.s32 s16, s11;
	v4 =	vld.idx.msk [tilespmem:v4+s4+$0x0], $0xffff  }
0x251: {  	s12 =	sadd.s32 s13, s12  }
0x252: {  	v5 =	vld [tilespmem:s12+$0x0];
	_ =	sdelay $0x2  }
0x253: {  	vm1 =	veq.s32 v4, $0x0  }
0x254: {  	s13 =	simm.s32 $0x80;
	v4 =	vsel vm1, $0x0, v3  }
0x255: {  	s14 =	simm.s32 $0x20;
	s15 =	simm.s32 $0x10;
	s16 =	sand.u32 $0x1C00, s13;
	v5 =	vmul.f32 v5, v4  }
.LBB2_23:
0x256: {  	p1 =	sne.s32 s14, $0x3F0;
	s15 =	sand.u32 $0x70, s15;
	s16 =	sadd.s32 s16, s11  }
0x257: {  	[tilespmem:s12+$0x0] =	vst v5;
	s12 =	sadd.s32 s15, s16;
	s15 =	smov.u32 s14  }
0x258: {  	v5 =	vld [tilespmem:s12+$0x0]  }
.Ltmp18:
0x259: {  	(pc) =	sbr.rel @p1 .LBB2_23-.Ltmp18, $3  }
0x25a: {  	_ =	sdelay $0x1  }
0x25b: {  	s13 =	sadd.s32 $0x80, s13  }
0x25c: {  	s16 =	sand.u32 $0x1C00, s13;
	s14 =	sadd.s32 $0x10, s14;
	v5 =	vmul.f32 v5, v4  }
0x25d: {  	s13 =	sand.u32 $0x70, s15;
	s11 =	sadd.s32 s16, s11  }
0x25e: {  	s11 =	sadd.s32 s13, s11;
	[tilespmem:s12+$0x0] =	vst v5  }
0x25f: {  	v5 =	vld [tilespmem:s11+$0x0]  }
0x260: {  	s10 =	sadd.s32 $0x1, s10  }
0x261: {  	p1 =	sne.s32 s10, $0x20  }
.Ltmp19:
0x262: {  	_ = 	snop;
	(pc) =	sbr.rel @p1 .LBB2_22-.Ltmp19, $3  }
0x263: {  	_ = 	snop  }
0x264: {  	v4 =	vmul.f32 v5, v4;
	_ =	sdelay $0x1  }
0x265: {  	[tilespmem:s11+$0x0] =	vst v4  }
0x266: {  	s4 =	simm.s32 $0x0;
	s10 =	rddreg [dreg:$0xa]  }
0x267: {  	[hbm4b:s10+s4] =	stream.linear.scatter [tilespmem:s28], [sflag:$0x6], $0x8000, $0x38;
	[tilespmem:$0x18100] =	vst v63  }
0x268: {  	_ =	swait.ge [sflag:s29], $0x8000  }
0x269: {  	[sflag:s29] =	ssyncset.done $0x0  }
0x26a: {  	s10 =	simm.s32 $0x0;
	[sflag:s29] =	ssyncadd.s32 $0xFFFF8000  }
.LBB2_26:
0x26b: {  	s11 =	sor.u32 $0xC0, s10  }
0x26c: {  	v4 =	vmov s11  }
0x26d: {  	s15 =	sshll.u32 s10, $0xA;
	s12 =	sshll.u32 s10, $0x7  }
0x26e: {  	s11 =	sand.u32 $0x6000, s15;
	s12 =	sand.u32 $0x380, s12  }
0x26f: {  	s11 =	sor.u32 s12, s11  }
0x270: {  	s16 =	sand.u32 $0x1C00, s4;
	s11 =	sadd.s32 $0x100, s11  }
0x271: {  	s13 =	sand.u32 $0x70, s4;
	s12 =	sadd.s32 s16, s11;
	v4 =	vld.idx.msk [tilespmem:v4+s4+$0x0], $0xffff  }
0x272: {  	s12 =	sadd.s32 s13, s12  }
0x273: {  	v5 =	vld [tilespmem:s12+$0x0];
	_ =	sdelay $0x2  }
0x274: {  	vm1 =	veq.s32 v4, $0x0  }
0x275: {  	s13 =	simm.s32 $0x80;
	v4 =	vsel vm1, $0x0, v3  }
0x276: {  	s14 =	simm.s32 $0x20;
	s15 =	simm.s32 $0x10;
	s16 =	sand.u32 $0x1C00, s13;
	v5 =	vmul.f32 v5, v4  }
.LBB2_27:
0x277: {  	p1 =	sne.s32 s14, $0x3F0;
	s15 =	sand.u32 $0x70, s15;
	s16 =	sadd.s32 s16, s11  }
0x278: {  	[tilespmem:s12+$0x0] =	vst v5;
	s12 =	sadd.s32 s15, s16;
	s15 =	smov.u32 s14  }
0x279: {  	v5 =	vld [tilespmem:s12+$0x0]  }
.Ltmp20:
0x27a: {  	(pc) =	sbr.rel @p1 .LBB2_27-.Ltmp20, $3  }
0x27b: {  	_ =	sdelay $0x1  }
0x27c: {  	s13 =	sadd.s32 $0x80, s13  }
0x27d: {  	s16 =	sand.u32 $0x1C00, s13;
	s14 =	sadd.s32 $0x10, s14;
	v5 =	vmul.f32 v5, v4  }
0x27e: {  	s13 =	sand.u32 $0x70, s15;
	s11 =	sadd.s32 s16, s11  }
0x27f: {  	s11 =	sadd.s32 s13, s11;
	[tilespmem:s12+$0x0] =	vst v5  }
0x280: {  	v5 =	vld [tilespmem:s11+$0x0]  }
0x281: {  	s10 =	sadd.s32 $0x1, s10  }
0x282: {  	p1 =	seq.s32 s10, $0x20  }
.Ltmp21:
0x283: {  	_ = 	snop;
	(pc) =	sbr.rel @!p1 .LBB2_26-.Ltmp21, $4  }
.Ltmp22:
0x284: {  	_ = 	snop;
	(pc) =	sbr.rel @p1 .LBB2_30-.Ltmp22, $4  }
0x285: {  	v4 =	vmul.f32 v5, v4  }
0x286: {  	_ = 	snop  }
0x287: {  	[tilespmem:s11+$0x0] =	vst v4  }
0x288: {  	_ = 	snop  }
.LBB2_29:
0x289: {  	s4 =	rddreg [dreg:$0xa]  }
0x28a: {  	[hbm4b:s4+s3] =	stream.linear.scatter [tilespmem:s28], [sflag:$0x6], $0x8000, $0x38;
	[tilespmem:$0x18100] =	vst v63  }
0x28b: {  	_ =	swait.ge [sflag:s29], $0x8000  }
0x28c: {  	[sflag:s29] =	ssyncset.done $0x0  }
0x28d: {  	[sflag:s29] =	ssyncadd.s32 $0xFFFF8000  }
.LBB2_30:
.Ltmp23:
0x28e: {  	s4 =	simm.s32 $0x0;
	s10 =	rddreg [dreg:$0xb];
	(pc) =	sbr.rel @p0 .LBB2_34-.Ltmp23, $4  }
0x28f: {  	[hbm4b:s10+s4] =	stream.linear.scatter [tilespmem:s20], [sflag:$0x4], $0x8000, $0x38;
	[tilespmem:$0x18100] =	vst v63  }
0x290: {  	_ =	swait.ge [sflag:s31], $0x8000  }
0x291: {  	[sflag:s31] =	ssyncset.done $0x0  }
0x292: {  	s10 =	simm.s32 $0x0;
	[sflag:s31] =	ssyncadd.s32 $0xFFFF8000  }
.LBB2_31:
0x293: {  	s11 =	sor.u32 $0xE0, s10  }
0x294: {  	v4 =	vmov s11  }
0x295: {  	s15 =	sshll.u32 s10, $0xA;
	s12 =	sshll.u32 s10, $0x7  }
0x296: {  	s11 =	sand.u32 $0x6000, s15;
	s12 =	sand.u32 $0x380, s12  }
0x297: {  	s11 =	sor.u32 s12, s11  }
0x298: {  	s16 =	sand.u32 $0x1C00, s4;
	s11 =	sadd.s32 $0x8100, s11  }
0x299: {  	s13 =	sand.u32 $0x70, s4;
	s12 =	sadd.s32 s16, s11;
	v4 =	vld.idx.msk [tilespmem:v4+s4+$0x0], $0xffff  }
0x29a: {  	s12 =	sadd.s32 s13, s12  }
0x29b: {  	v5 =	vld [tilespmem:s12+$0x0];
	_ =	sdelay $0x2  }
0x29c: {  	vm1 =	veq.s32 v4, $0x0  }
0x29d: {  	s13 =	simm.s32 $0x80;
	v4 =	vsel vm1, $0x0, v3  }
0x29e: {  	s14 =	simm.s32 $0x20;
	s15 =	simm.s32 $0x10;
	s16 =	sand.u32 $0x1C00, s13;
	v5 =	vmul.f32 v5, v4  }
.LBB2_32:
0x29f: {  	p0 =	sne.s32 s14, $0x3F0;
	s15 =	sand.u32 $0x70, s15;
	s16 =	sadd.s32 s16, s11  }
0x2a0: {  	[tilespmem:s12+$0x0] =	vst v5;
	s12 =	sadd.s32 s15, s16;
	s15 =	smov.u32 s14  }
0x2a1: {  	v5 =	vld [tilespmem:s12+$0x0]  }
.Ltmp24:
0x2a2: {  	(pc) =	sbr.rel @p0 .LBB2_32-.Ltmp24, $3  }
0x2a3: {  	_ =	sdelay $0x1  }
0x2a4: {  	s13 =	sadd.s32 $0x80, s13  }
0x2a5: {  	s16 =	sand.u32 $0x1C00, s13;
	s14 =	sadd.s32 $0x10, s14;
	v5 =	vmul.f32 v5, v4  }
0x2a6: {  	s13 =	sand.u32 $0x70, s15;
	s11 =	sadd.s32 s16, s11  }
0x2a7: {  	s11 =	sadd.s32 s13, s11;
	[tilespmem:s12+$0x0] =	vst v5  }
0x2a8: {  	v5 =	vld [tilespmem:s11+$0x0]  }
0x2a9: {  	s10 =	sadd.s32 $0x1, s10  }
0x2aa: {  	p0 =	sne.s32 s10, $0x20  }
.Ltmp25:
0x2ab: {  	_ = 	snop;
	(pc) =	sbr.rel @p0 .LBB2_31-.Ltmp25, $4  }
.Ltmp26:
0x2ac: {  	_ = 	snop;
	(pc) =	sbr.rel @!p0 .LBB2_34-.Ltmp26, $4  }
0x2ad: {  	v4 =	vmul.f32 v5, v4  }
0x2ae: {  	_ = 	snop  }
0x2af: {  	[tilespmem:s11+$0x0] =	vst v4  }
0x2b0: {  	_ = 	snop  }
.LBB2_35:
0x2b1: {  	_ =	sfence.sel $0x180000  }
0x2b2: {  	[bflag:$0x0] =	sbarrier.arrive $0xFFFF  }
0x2b3: {  	_ =	strace $0x90000047  }
0x2b4: {  	s0 =	stileid.u32;
	[bflag:$0x2] =	sbarrier.arrive $0xFFFF  }
0x2b5: {  	p0 =	sne.s32 s0, $0x0;
	s0 =	rddreg [dreg:$0x3]  }
0x2b6: {  	s0 =	sadd.s32 @!p0 $0x100000, s0  }
0x2b7: {  	[sflag:s0] =	ssyncadd.tile.s32 @!p0 $0x1;
	_ =	shalt  }
.Lfunc_end2:
_tile_overlayer_lowered:
.L_overlay_start_2:
0x2b8: {  	(tag) =	ssettag $0x2  }
0x2b9: {  	s0 =	rddreg [dreg:$0x0];
	s2 =	stileid.u32  }
0x2ba: {  	s1 =	rddreg [dreg:$0x1];
	p0 =	sne.s32 s2, $0x0  }
0x2bb: {  	s3 =	rddreg [dreg:$0x2];
	[bflag:$0x3] =	sbarrier.arrive $0xFFFF;
	s2 =	simm.s32 @!p0 $0x1C07  }
0x2bc: {  	[timem:s3], [sflag:s2] =	dma.local @!p0 [hbm:s0], s1  }
0x2bd: {  	s0 =	simm.s32 @!p0 $0x7  }
0x2be: {  	_ =	swait.ge @!p0 [sflag:s0], s1  }
0x2bf: {  	s1 =	ssub.s32 @!p0 $0x0, s1;
	[sflag:s0] =	ssyncset.done @!p0 $0x0  }
0x2c0: {  	[sflag:s0] =	ssyncadd.s32 @!p0 s1  }
0x2c1: {  	[bflag:$0x3] =	sbarrier.arrive $0xFFFF  }
0x2c2: {  	_ =	shalt  }

</sc_bundles>
